<compile_context>
chip_gen: v7x
topology: tpu7x:2x2x1
jax: 0.10.2.dev20260603
libtpu: 0.0.44.dev20260713+nightly
codegen_flags: <defaults>
</compile_context>

<pallas_src>
import jax
import jax.numpy as jnp
from jax.experimental import pallas as pl

B = 16384
EMB = 32


def _mlp_body(mu_r, mi_r, w0, b0, w1, b1, w2, b2, wm, out):
    x = jnp.concatenate([mu_r[...], mi_r[...]], axis=0)
    h = jnp.maximum(jnp.dot(w0[...], x) + b0[...], 0.0)
    h = jnp.maximum(jnp.dot(w1[...], h) + b1[...], 0.0)
    h = jnp.maximum(jnp.dot(w2[...], h) + b2[...], 0.0)
    out[...] = jnp.sum(h * wm[...], axis=0)[None, :]


def _gmf_body(gu_r, gi_r, wg, ym, bias, out):
    y = jnp.sum((gu_r[...] * gi_r[...]) * wg[...], axis=0)
    out[...] = ym[...] + (y + bias[0, 0])[None, :]


_BLK = 2048


def _emb_spec():
    return pl.BlockSpec((EMB, _BLK), lambda i: (0, i))


def _full(shape):
    return pl.BlockSpec(shape, lambda i: (0,) * len(shape))


def _tc_mlp(mu_t, mi_t, w0, b0, w1, b1, w2, b2, wm):
    return pl.pallas_call(
        _mlp_body,
        grid=(B // _BLK,),
        in_specs=[
            _emb_spec(), _emb_spec(),
            _full((128, 2 * EMB)), _full((128, 1)),
            _full((64, 128)), _full((64, 1)),
            _full((EMB, 64)), _full((EMB, 1)),
            _full((EMB, 1)),
        ],
        out_specs=pl.BlockSpec((1, _BLK), lambda i: (0, i)),
        out_shape=jax.ShapeDtypeStruct((1, B), jnp.float32),
    )(mu_t, mi_t, w0, b0, w1, b1, w2, b2, wm)


def _tc_gmf(gu_t, gi_t, wg, ym, bias):
    gblk = 8192
    return pl.pallas_call(
        _gmf_body,
        grid=(B // gblk,),
        in_specs=[
            pl.BlockSpec((EMB, gblk), lambda i: (0, i)),
            pl.BlockSpec((EMB, gblk), lambda i: (0, i)),
            _full((EMB, 1)),
            pl.BlockSpec((1, gblk), lambda i: (0, i)),
            _full((1, 1)),
        ],
        out_specs=pl.BlockSpec((1, gblk), lambda i: (0, i)),
        out_shape=jax.ShapeDtypeStruct((1, B), jnp.float32),
    )(gu_t, gi_t, wg, ym, bias)


def kernel(users, items, mlp_user_table, mlp_item_table, gmf_user_table,
           gmf_item_table, mlp_W0, mlp_b0, mlp_W1, mlp_b1, mlp_W2, mlp_b2,
           mlp_fc_w, mlp_fc_b, gmf_fc_w, gmf_fc_b):
    users = users.astype(jnp.int32)
    items = items.astype(jnp.int32)
    _m = "clip"
    mu_t = jnp.take(mlp_user_table.T, users, axis=1, mode=_m)
    mi_t = jnp.take(mlp_item_table.T, items, axis=1, mode=_m)
    gu_t = jnp.take(gmf_user_table.T, users, axis=1, mode=_m)
    gi_t = jnp.take(gmf_item_table.T, items, axis=1, mode=_m)
    bias = (mlp_fc_b + gmf_fc_b).reshape(1, 1)
    ym = _tc_mlp(mu_t, mi_t,
                 mlp_W0.T, mlp_b0.reshape(-1, 1),
                 mlp_W1.T, mlp_b1.reshape(-1, 1),
                 mlp_W2.T, mlp_b2.reshape(-1, 1),
                 mlp_fc_w.reshape(-1, 1))
    y = _tc_gmf(gu_t, gi_t, gmf_fc_w.reshape(-1, 1), ym, bias)
    return y[0]

# --- scband reference (transcript-rebuilt; emitter-appended) ---
"""Pipeline reference for scband-neu-mf-1554778161356 (READ-ONLY COPY).

The authoritative reference and input builder live on the scoring server;
editing this copy changes nothing except your own understanding.
"""

import jax, jax.numpy as jnp
import numpy as np

NUM_USER = 1000000
NUM_ITEM = 1000000
EMB = 32  # emb_size // 2 per sub-model
HIDDEN = [128, 64, 32]
B = 16384


def setup_inputs(seed: int = 0) -> dict:
    key = jax.random.key(seed)
    ks = jax.random.split(key, 24)
    inp = {}
    inp["users"] = jax.random.randint(ks[0], (B,), 0, NUM_USER)
    inp["items"] = jax.random.randint(ks[1], (B,), 0, NUM_ITEM)
    # embedding tables (vanilla nn.Embedding -> normal init)
    inp["mlp_user_table"] = jax.random.normal(ks[2], (NUM_USER, EMB), jnp.float32) * 0.02
    inp["mlp_item_table"] = jax.random.normal(ks[3], (NUM_ITEM, EMB), jnp.float32) * 0.02
    inp["gmf_user_table"] = jax.random.normal(ks[4], (NUM_USER, EMB), jnp.float32) * 0.02
    inp["gmf_item_table"] = jax.random.normal(ks[5], (NUM_ITEM, EMB), jnp.float32) * 0.02
    # MLP tower: Linear(64->128), Linear(128->64), Linear(64->32) (xavier)
    sizes = [EMB * 2] + HIDDEN
    for li in range(len(HIDDEN)):
        fan_in, fan_out = sizes[li], sizes[li + 1]
        limit = float(np.sqrt(6.0 / (fan_in + fan_out)))
        inp[f"mlp_W{li}"] = jax.random.uniform(ks[6 + 2 * li], (fan_in, fan_out), jnp.float32, -limit, limit)
        inp[f"mlp_b{li}"] = jnp.zeros((fan_out,), jnp.float32)
    inp["mlp_fc_w"] = jax.random.normal(ks[14], (HIDDEN[-1], 1), jnp.float32) * 0.1
    inp["mlp_fc_b"] = jnp.zeros((1,), jnp.float32)
    inp["gmf_fc_w"] = jax.random.normal(ks[15], (EMB, 1), jnp.float32) * 0.1
    inp["gmf_fc_b"] = jnp.zeros((1,), jnp.float32)
    return inp


def reference(users, items, mlp_user_table, mlp_item_table, gmf_user_table, gmf_item_table,
              mlp_W0, mlp_b0, mlp_W1, mlp_b1, mlp_W2, mlp_b2,
              mlp_fc_w, mlp_fc_b, gmf_fc_w, gmf_fc_b):
    # --- MLP branch ---
    u = jnp.take(mlp_user_table, users, axis=0)
    i = jnp.take(mlp_item_table, items, axis=0)
    h = jnp.concatenate([u, i], axis=-1)
    h = jax.nn.relu(h @ mlp_W0 + mlp_b0)
    h = jax.nn.relu(h @ mlp_W1 + mlp_b1)
    h = jax.nn.relu(h @ mlp_W2 + mlp_b2)
    y_mlp = (h @ mlp_fc_w + mlp_fc_b).squeeze(-1)
    # --- GMF branch ---
    gu = jnp.take(gmf_user_table, users, axis=0)
    gi = jnp.take(gmf_item_table, items, axis=0)
    g = gu * gi
    y_gmf = (g @ gmf_fc_w + gmf_fc_b).squeeze(-1)
    return y_mlp + y_gmf

if __name__ == "__main__":
    import jax
    _d = setup_inputs()
    print(jax.jit(kernel)(*tuple(_d.values())))

</pallas_src>

<mosaic_0001>
module attributes {stable_mosaic.version = 14 : i64} {
  func.func @_gmf_body(%arg0: i32, %arg1: memref<32x8192xf32, #tpu.memory_space<vmem>>, %arg2: memref<32x8192xf32, #tpu.memory_space<vmem>>, %arg3: memref<32x1xf32, #tpu.memory_space<vmem>>, %arg4: memref<1x8192xf32, #tpu.memory_space<vmem>>, %arg5: memref<1x1xf32, #tpu.memory_space<vmem>>, %arg6: memref<1x8192xf32, #tpu.memory_space<vmem>>) attributes {dimension_semantics = [#tpu.dimension_semantics<arbitrary>], iteration_bounds = array<i64: 2>, scalar_prefetch = 0 : i64, scratch_operands = 0 : i64, tpu.core_type = #tpu.core_type<tc>, window_params = [{transform_indices = @transform_0, window_bounds = array<i64: 32, 8192>}, {transform_indices = @transform_1, window_bounds = array<i64: 32, 8192>}, {pipeline_mode = #tpu.pipeline_mode<synchronous>, transform_indices = @transform_2, window_bounds = array<i64: 32, 1>}, {transform_indices = @transform_3, window_bounds = array<i64: 1, 8192>}, {pipeline_mode = #tpu.pipeline_mode<synchronous>, transform_indices = @transform_4, window_bounds = array<i64: 1, 1>}, {transform_indices = @transform_5, window_bounds = array<i64: 1, 8192>}]} {
    %get3A = arith.constant 0 : index
    %get3A_0 = arith.constant 0 : index
    %get3A_1 = vector.load %arg1[%get3A, %get3A_0] : memref<32x8192xf32, #tpu.memory_space<vmem>>, vector<32x8192xf32>
    %get3A_2 = arith.constant 0 : index
    %get3A_3 = arith.constant 0 : index
    %get3A_4 = vector.load %arg2[%get3A_2, %get3A_3] : memref<32x8192xf32, #tpu.memory_space<vmem>>, vector<32x8192xf32>
    %mul3A = arith.mulf %get3A_1, %get3A_4 : vector<32x8192xf32>
    %get3A_5 = arith.constant 0 : index
    %get3A_6 = arith.constant 0 : index
    %get3A_7 = vector.load %arg3[%get3A_5, %get3A_6] : memref<32x1xf32, #tpu.memory_space<vmem>>, vector<32x1xf32>
    %mul3A_8 = vector.broadcast %get3A_7 : vector<32x1xf32> to vector<32x8192xf32>
    %mul3A_9 = arith.mulf %mul3A, %mul3A_8 : vector<32x8192xf32>
    %reduce_sum3A = arith.constant dense<0.000000e+00> : vector<8192xf32>
    %reduce_sum3A_10 = vector.multi_reduction <add>, %mul3A_9, %reduce_sum3A [0] : vector<32x8192xf32> to vector<8192xf32>
    %get3A_11 = arith.constant 0 : index
    %get3A_12 = arith.constant 0 : index
    %get3A_13 = vector.load %arg4[%get3A_11, %get3A_12] : memref<1x8192xf32, #tpu.memory_space<vmem>>, vector<1x8192xf32>
    %get3A_14 = arith.constant 0 : index
    %get3A_15 = arith.constant 0 : index
    %get3A_16 = vector.load %arg5[%get3A_14, %get3A_15] : memref<1x1xf32, #tpu.memory_space<vmem>>, vector<1x1xf32>
    %get3A_17 = vector.extract %get3A_16[0, 0] : f32 from vector<1x1xf32>
    %add3A = vector.broadcast %get3A_17 : f32 to vector<8192xf32>
    %add3A_18 = arith.addf %reduce_sum3A_10, %add3A : vector<8192xf32>
    %broadcast_in_dim3A = vector.shape_cast %add3A_18 : vector<8192xf32> to vector<1x8192xf32>
    %add3A_19 = arith.addf %get3A_13, %broadcast_in_dim3A : vector<1x8192xf32>
    %swap3A = arith.constant 0 : index
    %swap3A_20 = arith.constant 0 : index
    %swap3A_21 = vector.load %arg6[%swap3A, %swap3A_20] : memref<1x8192xf32, #tpu.memory_space<vmem>>, vector<1x8192xf32>
    tpu.vector_store %arg6[%swap3A, %swap3A_20], %add3A_19 {strides = array<i32>} : memref<1x8192xf32, #tpu.memory_space<vmem>>, vector<1x8192xf32>,
    return
  }
  func.func @transform_0(%arg0: i32) -> (i32, i32) {
    %c0_i32 = arith.constant 0 : i32
    %c0_i32_0 = arith.constant 0 : i32
    return %c0_i32, %arg0 : i32, i32
  }
  func.func @transform_1(%arg0: i32) -> (i32, i32) {
    %c0_i32 = arith.constant 0 : i32
    %c0_i32_0 = arith.constant 0 : i32
    return %c0_i32, %arg0 : i32, i32
  }
  func.func @transform_2(%arg0: i32) -> (i32, i32) {
    %c0_i32 = arith.constant 0 : i32
    %c0_i32_0 = arith.constant 0 : i32
    %c0_i32_1 = arith.constant 0 : i32
    return %c0_i32, %c0_i32_0 : i32, i32
  }
  func.func @transform_3(%arg0: i32) -> (i32, i32) {
    %c0_i32 = arith.constant 0 : i32
    %c0_i32_0 = arith.constant 0 : i32
    return %c0_i32, %arg0 : i32, i32
  }
  func.func @transform_4(%arg0: i32) -> (i32, i32) {
    %c0_i32 = arith.constant 0 : i32
    %c0_i32_0 = arith.constant 0 : i32
    %c0_i32_1 = arith.constant 0 : i32
    return %c0_i32, %c0_i32_0 : i32, i32
  }
  func.func @transform_5(%arg0: i32) -> (i32, i32) {
    %c0_i32 = arith.constant 0 : i32
    %c0_i32_0 = arith.constant 0 : i32
    return %c0_i32, %arg0 : i32, i32
  }
}

module attributes {stable_mosaic.version = 14 : i64} {
  func.func @_mlp_body(%arg0: i32, %arg1: memref<32x2048xf32, #tpu.memory_space<vmem>>, %arg2: memref<32x2048xf32, #tpu.memory_space<vmem>>, %arg3: memref<128x64xf32, #tpu.memory_space<vmem>>, %arg4: memref<128x1xf32, #tpu.memory_space<vmem>>, %arg5: memref<64x128xf32, #tpu.memory_space<vmem>>, %arg6: memref<64x1xf32, #tpu.memory_space<vmem>>, %arg7: memref<32x64xf32, #tpu.memory_space<vmem>>, %arg8: memref<32x1xf32, #tpu.memory_space<vmem>>, %arg9: memref<32x1xf32, #tpu.memory_space<vmem>>, %arg10: memref<1x2048xf32, #tpu.memory_space<vmem>>) attributes {dimension_semantics = [#tpu.dimension_semantics<arbitrary>], iteration_bounds = array<i64: 8>, scalar_prefetch = 0 : i64, scratch_operands = 0 : i64, tpu.core_type = #tpu.core_type<tc>, window_params = [{transform_indices = @transform_0, window_bounds = array<i64: 32, 2048>}, {transform_indices = @transform_1, window_bounds = array<i64: 32, 2048>}, {pipeline_mode = #tpu.pipeline_mode<synchronous>, transform_indices = @transform_2, window_bounds = array<i64: 128, 64>}, {pipeline_mode = #tpu.pipeline_mode<synchronous>, transform_indices = @transform_3, window_bounds = array<i64: 128, 1>}, {pipeline_mode = #tpu.pipeline_mode<synchronous>, transform_indices = @transform_4, window_bounds = array<i64: 64, 128>}, {pipeline_mode = #tpu.pipeline_mode<synchronous>, transform_indices = @transform_5, window_bounds = array<i64: 64, 1>}, {pipeline_mode = #tpu.pipeline_mode<synchronous>, transform_indices = @transform_6, window_bounds = array<i64: 32, 64>}, {pipeline_mode = #tpu.pipeline_mode<synchronous>, transform_indices = @transform_7, window_bounds = array<i64: 32, 1>}, {pipeline_mode = #tpu.pipeline_mode<synchronous>, transform_indices = @transform_8, window_bounds = array<i64: 32, 1>}, {transform_indices = @transform_9, window_bounds = array<i64: 1, 2048>}]} {
    %get3A = arith.constant 0 : index
    %get3A_0 = arith.constant 0 : index
    %get3A_1 = vector.load %arg1[%get3A, %get3A_0] : memref<32x2048xf32, #tpu.memory_space<vmem>>, vector<32x2048xf32>
    %get3A_2 = arith.constant 0 : index
    %get3A_3 = arith.constant 0 : index
    %get3A_4 = vector.load %arg2[%get3A_2, %get3A_3] : memref<32x2048xf32, #tpu.memory_space<vmem>>, vector<32x2048xf32>
    %concatenate3A = tpu.concatenate %get3A_1, %get3A_4 in 0 : vector<32x2048xf32>, vector<32x2048xf32> -> vector<64x2048xf32>
    %get3A_5 = arith.constant 0 : index
    %get3A_6 = arith.constant 0 : index
    %get3A_7 = vector.load %arg3[%get3A_5, %get3A_6] : memref<128x64xf32, #tpu.memory_space<vmem>>, vector<128x64xf32>
    %dot_general3A = arith.constant dense<0.000000e+00> : vector<128x2048xf32>
    %dot_general3A_8 = tpu.matmul %get3A_7, %concatenate3A, %dot_general3A {dimension_numbers = #tpu.dot_dimension_numbers<[1], [0], [0], [1], [0, 0, 1, 1], [], []>, transpose_lhs_hint = false} : vector<128x64xf32>, vector<64x2048xf32>, vector<128x2048xf32> -> vector<128x2048xf32>
    %get3A_9 = arith.constant 0 : index
    %get3A_10 = arith.constant 0 : index
    %get3A_11 = vector.load %arg4[%get3A_9, %get3A_10] : memref<128x1xf32, #tpu.memory_space<vmem>>, vector<128x1xf32>
    %add3A = vector.broadcast %get3A_11 : vector<128x1xf32> to vector<128x2048xf32>
    %add3A_12 = arith.addf %dot_general3A_8, %add3A : vector<128x2048xf32>
    %max3A = arith.constant 0.000000e+00 : f32
    %max3A_13 = vector.broadcast %max3A : f32 to vector<128x2048xf32>
    %max3A_14 = arith.maximumf %add3A_12, %max3A_13 : vector<128x2048xf32>
    %get3A_15 = arith.constant 0 : index
    %get3A_16 = arith.constant 0 : index
    %get3A_17 = vector.load %arg5[%get3A_15, %get3A_16] : memref<64x128xf32, #tpu.memory_space<vmem>>, vector<64x128xf32>
    %dot_general3A_18 = arith.constant dense<0.000000e+00> : vector<64x2048xf32>
    %dot_general3A_19 = tpu.matmul %get3A_17, %max3A_14, %dot_general3A_18 {dimension_numbers = #tpu.dot_dimension_numbers<[1], [0], [0], [1], [0, 0, 1, 1], [], []>, transpose_lhs_hint = false} : vector<64x128xf32>, vector<128x2048xf32>, vector<64x2048xf32> -> vector<64x2048xf32>
    %get3A_20 = arith.constant 0 : index
    %get3A_21 = arith.constant 0 : index
    %get3A_22 = vector.load %arg6[%get3A_20, %get3A_21] : memref<64x1xf32, #tpu.memory_space<vmem>>, vector<64x1xf32>
    %add3A_23 = vector.broadcast %get3A_22 : vector<64x1xf32> to vector<64x2048xf32>
    %add3A_24 = arith.addf %dot_general3A_19, %add3A_23 : vector<64x2048xf32>
    %max3A_25 = arith.constant 0.000000e+00 : f32
    %max3A_26 = vector.broadcast %max3A_25 : f32 to vector<64x2048xf32>
    %max3A_27 = arith.maximumf %add3A_24, %max3A_26 : vector<64x2048xf32>
    %get3A_28 = arith.constant 0 : index
    %get3A_29 = arith.constant 0 : index
    %get3A_30 = vector.load %arg7[%get3A_28, %get3A_29] : memref<32x64xf32, #tpu.memory_space<vmem>>, vector<32x64xf32>
    %dot_general3A_31 = arith.constant dense<0.000000e+00> : vector<32x2048xf32>
    %dot_general3A_32 = tpu.matmul %get3A_30, %max3A_27, %dot_general3A_31 {dimension_numbers = #tpu.dot_dimension_numbers<[1], [0], [0], [1], [0, 0, 1, 1], [], []>, transpose_lhs_hint = false} : vector<32x64xf32>, vector<64x2048xf32>, vector<32x2048xf32> -> vector<32x2048xf32>
    %get3A_33 = arith.constant 0 : index
    %get3A_34 = arith.constant 0 : index
    %get3A_35 = vector.load %arg8[%get3A_33, %get3A_34] : memref<32x1xf32, #tpu.memory_space<vmem>>, vector<32x1xf32>
    %add3A_36 = vector.broadcast %get3A_35 : vector<32x1xf32> to vector<32x2048xf32>
    %add3A_37 = arith.addf %dot_general3A_32, %add3A_36 : vector<32x2048xf32>
    %max3A_38 = arith.constant 0.000000e+00 : f32
    %max3A_39 = vector.broadcast %max3A_38 : f32 to vector<32x2048xf32>
    %max3A_40 = arith.maximumf %add3A_37, %max3A_39 : vector<32x2048xf32>
    %get3A_41 = arith.constant 0 : index
    %get3A_42 = arith.constant 0 : index
    %get3A_43 = vector.load %arg9[%get3A_41, %get3A_42] : memref<32x1xf32, #tpu.memory_space<vmem>>, vector<32x1xf32>
    %mul3A = vector.broadcast %get3A_43 : vector<32x1xf32> to vector<32x2048xf32>
    %mul3A_44 = arith.mulf %max3A_40, %mul3A : vector<32x2048xf32>
    %reduce_sum3A = arith.constant dense<0.000000e+00> : vector<2048xf32>
    %reduce_sum3A_45 = vector.multi_reduction <add>, %mul3A_44, %reduce_sum3A [0] : vector<32x2048xf32> to vector<2048xf32>
    %broadcast_in_dim3A = vector.shape_cast %reduce_sum3A_45 : vector<2048xf32> to vector<1x2048xf32>
    %swap3A = arith.constant 0 : index
    %swap3A_46 = arith.constant 0 : index
    %swap3A_47 = vector.load %arg10[%swap3A, %swap3A_46] : memref<1x2048xf32, #tpu.memory_space<vmem>>, vector<1x2048xf32>
    tpu.vector_store %arg10[%swap3A, %swap3A_46], %broadcast_in_dim3A {strides = array<i32>} : memref<1x2048xf32, #tpu.memory_space<vmem>>, vector<1x2048xf32>,
    return
  }
  func.func @transform_0(%arg0: i32) -> (i32, i32) {
    %c0_i32 = arith.constant 0 : i32
    %c0_i32_0 = arith.constant 0 : i32
    return %c0_i32, %arg0 : i32, i32
  }
  func.func @transform_1(%arg0: i32) -> (i32, i32) {
    %c0_i32 = arith.constant 0 : i32
    %c0_i32_0 = arith.constant 0 : i32
    return %c0_i32, %arg0 : i32, i32
  }
  func.func @transform_2(%arg0: i32) -> (i32, i32) {
    %c0_i32 = arith.constant 0 : i32
    %c0_i32_0 = arith.constant 0 : i32
    %c0_i32_1 = arith.constant 0 : i32
    return %c0_i32, %c0_i32_0 : i32, i32
  }
  func.func @transform_3(%arg0: i32) -> (i32, i32) {
    %c0_i32 = arith.constant 0 : i32
    %c0_i32_0 = arith.constant 0 : i32
    %c0_i32_1 = arith.constant 0 : i32
    return %c0_i32, %c0_i32_0 : i32, i32
  }
  func.func @transform_4(%arg0: i32) -> (i32, i32) {
    %c0_i32 = arith.constant 0 : i32
    %c0_i32_0 = arith.constant 0 : i32
    %c0_i32_1 = arith.constant 0 : i32
    return %c0_i32, %c0_i32_0 : i32, i32
  }
  func.func @transform_5(%arg0: i32) -> (i32, i32) {
    %c0_i32 = arith.constant 0 : i32
    %c0_i32_0 = arith.constant 0 : i32
    %c0_i32_1 = arith.constant 0 : i32
    return %c0_i32, %c0_i32_0 : i32, i32
  }
  func.func @transform_6(%arg0: i32) -> (i32, i32) {
    %c0_i32 = arith.constant 0 : i32
    %c0_i32_0 = arith.constant 0 : i32
    %c0_i32_1 = arith.constant 0 : i32
    return %c0_i32, %c0_i32_0 : i32, i32
  }
  func.func @transform_7(%arg0: i32) -> (i32, i32) {
    %c0_i32 = arith.constant 0 : i32
    %c0_i32_0 = arith.constant 0 : i32
    %c0_i32_1 = arith.constant 0 : i32
    return %c0_i32, %c0_i32_0 : i32, i32
  }
  func.func @transform_8(%arg0: i32) -> (i32, i32) {
    %c0_i32 = arith.constant 0 : i32
    %c0_i32_0 = arith.constant 0 : i32
    %c0_i32_1 = arith.constant 0 : i32
    return %c0_i32, %c0_i32_0 : i32, i32
  }
  func.func @transform_9(%arg0: i32) -> (i32, i32) {
    %c0_i32 = arith.constant 0 : i32
    %c0_i32_0 = arith.constant 0 : i32
    return %c0_i32, %arg0 : i32, i32
  }
}

</mosaic_0001>

<sc_bundles>
// kernel: gather_offload_async_start.1
scs
__scs_entry_jumppad:
0x0: {  	(pc) =	sbr.rel $0x88, $3  }
0x1: {  	(tag) =	ssettag $0x0;
	lr =	simm.s32 $0x1  }
0x2: {  	[smem:$0x3F91] =	sst lr;
	_ =	strace $0xD0000000  }
0x3: {  	_ = 	snop  }
0x4: {  	_ = 	snop  }
0x5: {  	_ = 	snop  }
0x6: {  	_ = 	snop  }
0x7: {  	_ = 	snop  }
__scs_overlays_trampoline_lowered:
0x8: {  	[smem:$0x3FA0] =	sst s0  }
0x9: {  	[smem:$0x3FA1] =	sst s1  }
0xa: {  	[smem:$0x3FA2] =	sst s2  }
0xb: {  	[smem:$0x3FA3] =	sst s3  }
0xc: {  	[smem:$0x3FA4] =	sst s4  }
0xd: {  	[smem:$0x3FA5] =	sst s5  }
0xe: {  	[smem:$0x3FA6] =	sst s6  }
0xf: {  	[smem:$0x3FA7] =	sst s7  }
0x10: {  	[smem:$0x3FA8] =	sst s8  }
0x11: {  	[smem:$0x3FA9] =	sst s9;
	s0 =	simm.s32 @!p0 $0x0  }
0x12: {  	s1 =	sld [smem:$0x3F8F];
	s0 =	simm.s32 @p0 $0x1  }
0x13: {  	[smem:$0x3FAA] =	sst s0;
	s0 =	simm.s32 @!p1 $0x0  }
0x14: {  	s2 =	sld [smem:$0x3F8E];
	s0 =	simm.s32 @p1 $0x1  }
0x15: {  	[smem:$0x3FAB] =	sst s0;
	s0 =	simm.s32 @!p2 $0x0  }
0x16: {  	s3 =	sld [smem:$0x3FDB];
	s0 =	simm.s32 @p2 $0x1  }
0x17: {  	s4 =	simm.s32 $0x1BF5;
	[smem:$0x3FAD] =	sst s0  }
0x18: {  	s0 =	sld [smem:$0x3F90];
	_ =	swait.ge [sflag:s4], $0x0  }
0x19: {  	s7 =	sld [smem:$0x3F91]  }
0x1a: {  	s8 =	sadd.s32 $0xFFFFE003, lr  }
0x1b: {  	s9 =	sadd.s32 $0xFFFFFEF7, lr;
	s5 =	simm.s32 $0xFFFFFFFF;
	p2 =	slt.u32 s8, $0xFFFFF086  }
0x1c: {  	p1 =	slt.u32 s9, $0xF7A;
	s5 =	simm.s32 @!p2 $0x0  }
0x1d: {  	s5 =	simm.s32 @p1 $0x1;
	p0 =	seq.s32 s7, s2  }
0x1e: {  	s7 =	smul.u32 @!p0 $0xF7A, s2;
	p2 =	seq.s32 @!p0 s5, $0x0  }
0x1f: {  	s9 =	smul.u32 $0xF7A, s1;
	s8 =	simm.s32 @!p0 $0x1BF5;
	p2 =	por !p2, p0  }
0x20: {  	[sflag:s8] =	ssyncset.s32 @!p0 $0xFFFFF086;
	s6 =	sadd.s32 @!p0 s3, s7;
	s7 =	simm.s32 @!p0 $0x108  }
0x21: {  	s3 =	sadd.s32 s3, s9;
	s6 =	sadd.s32 @!p0 $0x88, s6;
	s7 =	simm.s32 @p2 $0x1082  }
0x22: {  	[simem:s7], [sflag:s8] =	dma.local @!p0 [hbm:s6], $0xF7A  }
0x23: {  	s9 =	sor.u32 $0xD0000000, s2;
	s6 =	simm.s32 $0x108;
	_ =	swait.ge @!p0 [sflag:s8], $0x0  }
0x24: {  	s3 =	sadd.s32 $0x88, s3;
	s6 =	simm.s32 @!p1 $0x1082;
	[sflag:s4] =	ssyncset.s32 $0xFFFFF086  }
0x25: {  	[simem:s6], [sflag:s4] =	dma.local [hbm:s3], $0xF7A  }
0x26: {  	[smem:$0x3F91] =	sst s1;
	(tag) =	ssettag s2;
	_ =	strace s9  }
0x27: {  	s1 =	sld [smem:$0x3FA1]  }
0x28: {  	s2 =	sld [smem:$0x3FA2]  }
0x29: {  	s4 =	sld [smem:$0x3FA4]  }
0x2a: {  	p0 =	seq.s32 s5, $0x0;
	s5 =	sld [smem:$0x3FA5]  }
0x2b: {  	s6 =	sld [smem:$0x3FA6]  }
0x2c: {  	s7 =	sld [smem:$0x3FA7]  }
0x2d: {  	s3 =	simm.s32 $0x108;
	s8 =	sld [smem:$0x3FA8]  }
0x2e: {  	s3 =	simm.s32 @!p0 $0x1082;
	s9 =	sld [smem:$0x3FA9]  }
0x2f: {  	lr =	sadd.s32 s0, s3;
	s0 =	sld [smem:$0x3FA0]  }
0x30: {  	s3 =	sld [smem:$0x3FA3]  }
0x31: {  	[smem:$0x3FAC] =	sst s10  }
0x32: {  	s10 =	sld [smem:$0x3FAA];
	_ =	sdelay $0x3  }
0x33: {  	p0 =	seq.s32 s10, $0x1;
	s10 =	sld [smem:$0x3FAC];
	_ =	sdelay $0x3  }
0x34: {  	[smem:$0x3FAC] =	sst s10  }
0x35: {  	s10 =	sld [smem:$0x3FAB];
	_ =	sdelay $0x3  }
0x36: {  	p1 =	seq.s32 s10, $0x1;
	s10 =	sld [smem:$0x3FAC];
	_ =	sdelay $0x3  }
0x37: {  	[smem:$0x3FAC] =	sst s10  }
0x38: {  	s10 =	sld [smem:$0x3FAD]  }
0x39: {  	_ = 	snop;
	(pc) =	sbr.ind lr, $3  }
0x3a: {  	_ = 	snop  }
0x3b: {  	_ = 	snop  }
0x3c: {  	p2 =	seq.s32 s10, $0x1;
	s10 =	sld [smem:$0x3FAC]  }
0x3d: {  	_ =	shalt  }
0x3e: {  	_ =	shalt  }
0x3f: {  	_ =	shalt  }
0x40: {  	_ =	shalt  }
0x41: {  	_ =	shalt  }
0x42: {  	_ =	shalt  }
0x43: {  	_ =	shalt  }
0x44: {  	_ =	shalt  }
0x45: {  	_ =	shalt  }
0x46: {  	_ =	shalt  }
0x47: {  	_ =	shalt  }
0x48: {  	_ =	shalt  }
0x49: {  	_ =	shalt  }
0x4a: {  	_ =	shalt  }
0x4b: {  	_ =	shalt  }
0x4c: {  	_ =	shalt  }
0x4d: {  	_ =	shalt  }
0x4e: {  	_ =	shalt  }
0x4f: {  	_ =	shalt  }
0x50: {  	_ =	shalt  }
0x51: {  	_ =	shalt  }
0x52: {  	_ =	shalt  }
0x53: {  	_ =	shalt  }
0x54: {  	_ =	shalt  }
0x55: {  	_ =	shalt  }
0x56: {  	_ =	shalt  }
0x57: {  	_ =	shalt  }
0x58: {  	_ =	shalt  }
0x59: {  	_ =	shalt  }
0x5a: {  	_ =	shalt  }
0x5b: {  	_ =	shalt  }
0x5c: {  	_ =	shalt  }
0x5d: {  	_ =	shalt  }
0x5e: {  	_ =	shalt  }
0x5f: {  	_ =	shalt  }
0x60: {  	_ =	shalt  }
0x61: {  	_ =	shalt  }
0x62: {  	_ =	shalt  }
0x63: {  	_ =	shalt  }
0x64: {  	_ =	shalt  }
0x65: {  	_ =	shalt  }
0x66: {  	_ =	shalt  }
0x67: {  	_ =	shalt  }
0x68: {  	_ =	shalt  }
0x69: {  	_ =	shalt  }
0x6a: {  	_ =	shalt  }
0x6b: {  	_ =	shalt  }
0x6c: {  	_ =	shalt  }
0x6d: {  	_ =	shalt  }
0x6e: {  	_ =	shalt  }
0x6f: {  	_ =	shalt  }
0x70: {  	_ =	shalt  }
0x71: {  	_ =	shalt  }
0x72: {  	_ =	shalt  }
0x73: {  	_ =	shalt  }
0x74: {  	_ =	shalt  }
0x75: {  	_ =	shalt  }
0x76: {  	_ =	shalt  }
0x77: {  	_ =	shalt  }
0x78: {  	_ =	shalt  }
0x79: {  	_ =	shalt  }
0x7a: {  	_ =	shalt  }
0x7b: {  	_ =	shalt  }
0x7c: {  	_ =	shalt  }
0x7d: {  	_ =	shalt  }
0x7e: {  	_ =	shalt  }
0x7f: {  	_ =	shalt  }
0x80: {  	_ =	shalt  }
0x81: {  	_ =	shalt  }
0x82: {  	_ =	shalt  }
0x83: {  	_ =	shalt  }
0x84: {  	_ =	shalt  }
0x85: {  	_ =	shalt  }
0x86: {  	_ =	shalt  }
0x87: {  	_ =	shalt  }
.Lfunc_end0:
.L_simem_size_0:
called_computation.1_lowered:
.L_overlay_start_0:
0x88: {  	s2 =	sld [smem:$0x3FD9]  }
0x89: {  	s3 =	sld [smem:$0x3FFE];
	_ =	sdelay $0x1  }
0x8a: {  	s1 =	srdreg.scid  }
0x8b: {  	s0 =	sand.u32 $0x1, s1  }
0x8c: {  	s17 =	sshll.u32 s0, $0xA;
	s2 =	sadd.s32 s3, s2  }
0x8d: {  	s2 =	sadd.s32 s2, s17  }
0x8e: {  	[smem:$0x3FB8] =	sst s2  }
0x8f: {  	_ = 	snop  }
0x90: {  	s18 =	sld [smem:$0x3FC4];
	(tm) =	ssettm $0x1  }
0x91: {  	s19 =	sld [smem:$0x3FFB];
	_ =	sdelay $0x3  }
0x92: {  	_ =	strace s19  }
0x93: {  	s2 =	sld [smem:$0x3FFC];
	_ =	sdelay $0x3  }
0x94: {  	_ =	strace s2  }
0x95: {  	s2 =	sld [smem:$0x3FFD];
	_ =	sdelay $0x3  }
0x96: {  	_ =	strace s2  }
0x97: {  	_ =	strace $0x8FFFFFFF  }
0x98: {  	s20 =	sld [smem:$0x3FDB];
	_ =	sdelay $0x1  }
0x99: {  	s4 =	simm.s32 $_scs_section_size  }
0x9a: {  	s5 =	simm.s32 $_size__tile_overlayer_lowered;
	s6 =	simm.s32 $_tile_overlayer_lowered  }
0x9b: {  	s7 =	simm.s32 $0x1BFF;
	s21 =	sshll.u32 s6, $0x1;
	s4 =	sadd.s32 s4, s20  }
0x9c: {  	s22 =	simm.s32 $0x0;
	s5 =	sshll.u32 s5, $0x1;
	s6 =	sadd.s32 s21, s4  }
0x9d: {  	[timem:s22], [sflag:s7] =	dma.local [hbm:s6], s5  }
0x9e: {  	_ =	swait.ge [sflag:s7], s5  }
0x9f: {  	s5 =	ssub.s32 $0x0, s5;
	[sflag:s7] =	ssyncset.done $0x0  }
0xa0: {  	[sflag:s7] =	ssyncadd.s32 s5;
	_ =	sdelay $0x1  }
0xa1: {  	s23 =	simm.s32 $0x1B8B  }
0xa2: {  	_ =	swait.ge [sflag:s23], $0x1  }
0xa3: {  	[sflag:s23] =	ssyncset.done $0x0  }
0xa4: {  	[sflag:s23] =	ssyncadd.s32 $0xFFFFFFFF  }
0xa5: {  	s5 =	sld [smem:$0x0]  }
0xa6: {  	s6 =	sand.u32 $0xFFFFFFFE, s1  }
0xa7: {  	p0 =	sne.s32 s1, s6  }
0xa8: {  	s6 =	sshll.u32 @p0 s6, $0xE  }
0xa9: {  	s6 =	sadd.s32 @p0 $0x11B8D, s6;
	s7 =	sshll.u32 @p0 s5, $0x11  }
0xaa: {  	s6 =	sor.u32 @p0 s7, s6  }
0xab: {  	[sflag:s6] =	ssyncadd.remote.s32 @p0 $0x1;
	_ =	sdelay $0x1  }
0xac: {  	s6 =	simm.s32 @p0 $0x1B8D  }
0xad: {  	_ =	swait.eq @p0 [sflag:s6], $0x1  }
0xae: {  	[sflag:s6] =	ssyncadd.s32 @p0 $0xFFFFFFFF  }
0xaf: {  	s7 =	sshll.u32 @!p0 s1, $0xE  }
0xb0: {  	s7 =	sor.u32 @!p0 $0x4000, s7;
	s6 =	simm.s32 @!p0 $0x1B8D  }
0xb1: {  	s5 =	sshll.u32 @!p0 s5, $0x11;
	s7 =	sadd.s32 @!p0 $0x11B8D, s7;
	_ =	swait.eq @!p0 [sflag:s6], $0x1  }
0xb2: {  	s5 =	sor.u32 @!p0 s5, s7;
	[sflag:s6] =	ssyncadd.s32 @!p0 $0xFFFFFFFF  }
0xb3: {  	s25 =	simm.s32 $0x1B8E;
	s24 =	sld [smem:$0x3FFE];
	[sflag:s5] =	ssyncadd.remote.s32 @!p0 $0x1  }
0xb4: {  	s26 =	simm.s32 $execute0_lowered;
	[smem:$0x3FD2] =	sst s25  }
0xb5: {  	s6 =	sshll.u32 s26, $0x1;
	_ =	strace $0x8000004F;
	[dreg:$0x1] =	wrdreg $0xFFFFFFFF  }
0xb6: {  	s28 =	simm.s32 $_size_execute0_lowered;
	s4 =	sadd.s32 s4, s6;
	[dreg:$0x0] =	wrdreg $0x0  }
0xb7: {  	s6 =	sshll.u32 s28, $0x1;
	[dreg:$0x2] =	wrdreg s4  }
0xb8: {  	[dreg:$0x3] =	wrdreg s6  }
0xb9: {  	[dreg:$0x4] =	wrdreg $0xC0  }
0xba: {  	_ =	task [dreg:s22], $0x5FFFF  }
0xbb: {  	[dreg:$0x1] =	wrdreg $0xFFFFFFFF  }
0xbc: {  	[dreg:$0x0] =	wrdreg $0x60  }
0xbd: {  	[dreg:$0x2] =	wrdreg s18  }
0xbe: {  	[dreg:$0x3] =	wrdreg s24  }
0xbf: {  	[dreg:$0x4] =	wrdreg $0xA  }
0xc0: {  	_ =	task.clear_ibuf [dreg:s22], $0x5FFFF;
	_ =	strace $0x9000004F  }
0xc1: {  	s29 =	simm.s32 $0xA;
	_ =	strace $0x80000051  }
0xc2: {  	_ =	swait.ge [sflag:s29], $0x1  }
0xc3: {  	[sflag:s29] =	ssyncadd.s32 $0xFFFFFFFF  }
0xc4: {  	_ =	strace $0x90000051  }
0xc5: {  	_ =	sfence  }
0xc6: {  	s30 =	sld [smem:$0x0];
	_ =	sdelay $0x2  }
0xc7: {  	s31 =	sshll.u32 s1, $0xD;
	s1 =	sshrl.u32 s1, $0x2  }
0xc8: {  	s4 =	sand.u32 $0x4000, s31;
	s1 =	sadd.s32 s1, s30  }
0xc9: {  	s0 =	sor.u32 s4, s0;
	s1 =	sshll.u32 s1, $0x11  }
0xca: {  	s0 =	sor.u32 s1, s0  }
0xcb: {  	s0 =	sadd.s32 $0x8F2B, s0  }
0xcc: {  	[sflag:s0] =	ssyncadd.remote.s32 $0x1  }
0xcd: {  	_ =	sfence.sel $0xFFFF  }
0xce: {  	[dreg:$0x0] =	wrdreg $0xFFFFFFFF;
	(pc) =	sbr.abs _section_cstart, $3  }
0xcf: {  	[dreg:$0x1] =	wrdreg $0xFFFFFFFF  }
0xd0: {  	_ =	task.clear_ibuf [dreg:s22], $0x2FFFF;
	_ =	strace $0x9FFFFFFF  }
0xd1: {  	(tm) =	ssettm $0x7FFFFFFF  }
tec
execute0_lowered:
.L_overlay_start_1:
0x0: {  	(tag) =	ssettag $0x1  }
0x1: {  	s1 =	srdreg.scid  }
0x2: {  	s2 =	rddreg [dreg:$0x0];
	s0 =	stileid.u32  }
0x3: {  	s11 =	rddreg [dreg:$0x1];
	s5 =	simm.s32 $0x2;
	s1 =	sshll.u32 s1, $0x9  }
0x4: {  	s9 =	simm.s32 $0x3;
	s3 =	sshll.u32 s0, $0xA;
	s4 =	sand.u32 $0x200, s1  }
0x5: {  	s13 =	simm.s32 $0x0;
	s15 =	simm.s32 $0x0;
	s3 =	sor.u32 s3, s4  }
0x6: {  	s14 =	simm.s32 $0x0;
	s1 =	rddreg [dreg:$0x2];
	s4 =	sshrl.u32 s3, $0x3  }
0x7: {  	_ =	strace $0x80000050;
	s6 =	ssub.s32 $0x4000, s3;
	s8 =	sadd.s32 s4, s11  }
0x8: {  	s4 =	simm.s32 $0x1;
	s7 =	sand.u32 $0x3E00, s6;
	s10 =	sshrl.u32 s6, $0xE  }
.Ltmp0:
0x9: {  	s6 =	sadd.s32 $0x33200, s11;
	[sflag:s4] =	ssyncpa.u1 $0x0;
	(pc) =	sbr.rel .LBB2_1-.Ltmp0, $4  }
0xa: {  	p0 =	sne.s32 s7, $0x0;
	s7 =	simm.s32 $0x1;
	s8 =	sadd.s32 $0x12A00, s8  }
0xb: {  	[sflag:s5] =	ssyncpa.u1 $0x0;
	s7 =	simm.s32 @!p0 $0x0;
	p0 =	por $0x0, $0x0  }
0xc: {  	[sflag:s9] =	ssyncpa.u1 $0x0;
	s7 =	sadd.s32 s7, s10;
	s9 =	sadd.s32 $0x37200, s11  }
0xd: {  	vm0 =	vmmov $0xffff;
	s10 =	sadd.s32 $0x3B200, s11;
	s11 =	sadd.s32 $0x3F200, s11;
	s12 =	sadd.s32 $0x1, s7  }
.LBB2_4:
0xe: {  	_ =	sdelay $0x3  }
0xf: {  	[tilespmem:s21], [sflag:$0x1] =	stream.indirect_vreg.gather [hbm4b:s2+s13], $0x1, v0, vm0, $0x4038;
	[tilespmem:$0x8400] =	vst v63  }
0x10: {  	s18 =	sshll.u32 s15, $0x3  }
0x11: {  	s24 =	sand.u32 $0x78, s15;
	s18 =	sand.u32 $0x7FFFFC00, s18  }
0x12: {  	_ =	swait.ge [sflag:s4], $0x4000;
	s15 =	sor.u32 s24, s18  }
0x13: {  	[sflag:s4] =	ssyncset.done $0x0;
	s15 =	sshrl.u32 s15, $0x3  }
0x14: {  	[sflag:s4] =	ssyncadd.s32 $0xFFFFC000;
	s25 =	sadd.s32 s6, s15  }
0x15: {  	[hbm:s25] =	stream.linear.scatter [tilespmem:s17], [sflag:$0x3], $0x1000, $0x38;
	[tilespmem:$0x8400] =	vst v63  }
0x16: {  	s26 =	sadd.s32 $0x1400, s16;
	s28 =	sadd.s32 s15, s9  }
0x17: {  	[hbm:s28] =	stream.linear.scatter [tilespmem:s26], [sflag:$0x3], $0x1000, $0x38;
	[tilespmem:$0x8400] =	vst v63  }
0x18: {  	s29 =	sadd.s32 $0x2400, s16;
	s30 =	sadd.s32 s15, s10  }
0x19: {  	[hbm:s30] =	stream.linear.scatter [tilespmem:s29], [sflag:$0x3], $0x1000, $0x38;
	[tilespmem:$0x8400] =	vst v63  }
0x1a: {  	s31 =	sadd.s32 $0x3400, s16;
	s15 =	sadd.s32 s15, s11  }
0x1b: {  	[hbm:s15] =	stream.linear.scatter [tilespmem:s31], [sflag:$0x3], $0x1000, $0x38;
	[tilespmem:$0x8400] =	vst v63  }
.LBB2_5:
0x1c: {  	p2 =	sne.s32 s14, s12  }
.Ltmp1:
0x1d: {  	p1 =	slt.u32 s14, $0x2;
	(pc) =	sbr.rel @!p2 .LBB2_6-.Ltmp1, $4  }
0x1e: {  	s15 =	simm.s32 @!p1 $0x3  }
0x1f: {  	_ =	swait.ge @!p1 [sflag:s15], $0x4000  }
0x20: {  	s16 =	sadd.s32 $0x1, s14;
	p0 =	por !p0, !p0;
	[sflag:s15] =	ssyncset.done @!p1 $0x0  }
0x21: {  	s14 =	smov.u32 s16;
	[sflag:s15] =	ssyncadd.s32 @!p1 $0xFFFFC000;
	s15 =	smov.u32 s3  }
.LBB2_1:
0x22: {  	p1 =	sge.u32 s14, s7  }
0x23: {  	s16 =	sxor.u32 @!p1 $0xFFFFFFFF, s14  }
0x24: {  	s16 =	sshll.u32 @!p1 s16, $0x9  }
0x25: {  	s31 =	sadd.s32 $0xFFFFFFFF, s14;
	s17 =	simm.s32 @!p1 $0x0;
	s16 =	sand.u32 @!p1 $0x200, s16  }
0x26: {  	[tilespmem:s16], [sflag:$0x2] =	stream.linear.gather @!p1 [hbm4b:s8+s17], $0x200, $0x38;
	[tilespmem:$0x8400] =	vst v63  }
0x27: {  	p1 =	sge.u32 s31, s7  }
.Ltmp2:
0x28: {  	_ = 	snop;
	(pc) =	sbr.rel @p1 .LBB2_5-.Ltmp2, $1  }
0x29: {  	_ =	sdelay $0x3  }
0x2a: {  	s16 =	simm.s32 $0x1;
	_ =	swait.ge [sflag:s5], $0x200  }
0x2b: {  	s16 =	simm.s32 @!p0 $0x0;
	[sflag:s5] =	ssyncset.done $0x0  }
0x2c: {  	s19 =	sshll.u32 s16, $0x9;
	[sflag:s5] =	ssyncadd.s32 $0xFFFFFE00  }
0x2d: {  	v0 =	vld.msk [tilespmem:s19+$0x0 ss:$0x1], $0xffff;
	_ =	sdelay $0x4  }
0x2e: {  	vm1 =	vgt.s32 v0, $0x0  }
0x2f: {  	v0 =	vnsel vm1, $0x0, v0  }
0x30: {  	v0 =	vmin.u32 v0, $0xF423F  }
0x31: {  	v1 =	vshll.u32 v0, $0x3  }
0x32: {  	v0 =	vand.u32 $0x7F, v0;
	v1 =	vand.u32 $0x7FFC00, v1  }
0x33: {  	s22 =	sshll.u32 s14, $0xE;
	v0 =	vor.u32 v0, v1  }
0x34: {  	s18 =	simm.s32 $0x0;
	s16 =	sand.u32 $0x4000, s22  }
0x35: {  	s20 =	sand.u32 $0xC00, s18;
	s17 =	sor.u32 $0x400, s16  }
0x36: {  	s21 =	sand.u32 $0x70, s18;
	(ifvalue) =	ssetifvalue $0x7FFFFFFF;
	s20 =	sadd.s32 s20, s17;
	v1 =	vor.u32 $0x80, v0  }
0x37: {  	(ifvalue) =	ssetifvalue $0x7FFFFFFF;
	s20 =	sadd.s32 s21, s20  }
0x38: {  	[tilespmem:s20], [sflag:$0x1] =	stream.indirect_vreg.gather [hbm4b:s2+s13], $0x1, v0, vm0, $0x4038;
	[tilespmem:$0x8400] =	vst v63  }
0x39: {  	v2 =	vor.u32 $0x100, v0;
	(ifvalue) =	ssetifvalue $0x7FFFFFFF  }
0x3a: {  	s21 =	sadd.s32 $0x80, s20;
	(ifvalue) =	ssetifvalue $0x7FFFFFFF  }
0x3b: {  	[tilespmem:s21], [sflag:$0x1] =	stream.indirect_vreg.gather [hbm4b:s2+s13], $0x1, v1, vm0, $0x4038;
	[tilespmem:$0x8400] =	vst v63  }
0x3c: {  	v1 =	vor.u32 $0x180, v0;
	(ifvalue) =	ssetifvalue $0x7FFFFFFF  }
0x3d: {  	s23 =	sadd.s32 $0x100, s20;
	(ifvalue) =	ssetifvalue $0x7FFFFFFF  }
0x3e: {  	[tilespmem:s23], [sflag:$0x1] =	stream.indirect_vreg.gather [hbm4b:s2+s13], $0x1, v2, vm0, $0x4038;
	[tilespmem:$0x8400] =	vst v63  }
0x3f: {  	v2 =	vor.u32 $0x200, v0;
	(ifvalue) =	ssetifvalue $0x7FFFFFFF  }
0x40: {  	s24 =	sadd.s32 $0x180, s20;
	(ifvalue) =	ssetifvalue $0x7FFFFFFF  }
0x41: {  	[tilespmem:s24], [sflag:$0x1] =	stream.indirect_vreg.gather [hbm4b:s2+s13], $0x1, v1, vm0, $0x4038;
	[tilespmem:$0x8400] =	vst v63  }
0x42: {  	(ifvalue) =	ssetifvalue $0x7FFFFFFF;
	v1 =	vor.u32 $0x280, v0  }
0x43: {  	s25 =	sadd.s32 $0x200, s20;
	(ifvalue) =	ssetifvalue $0x7FFFFFFF  }
0x44: {  	[tilespmem:s25], [sflag:$0x1] =	stream.indirect_vreg.gather [hbm4b:s2+s13], $0x1, v2, vm0, $0x4038;
	[tilespmem:$0x8400] =	vst v63  }
0x45: {  	(ifvalue) =	ssetifvalue $0x7FFFFFFF;
	v2 =	vor.u32 $0x300, v0  }
0x46: {  	s26 =	sadd.s32 $0x280, s20;
	(ifvalue) =	ssetifvalue $0x7FFFFFFF  }
0x47: {  	[tilespmem:s26], [sflag:$0x1] =	stream.indirect_vreg.gather [hbm4b:s2+s13], $0x1, v1, vm0, $0x4038;
	[tilespmem:$0x8400] =	vst v63  }
0x48: {  	(ifvalue) =	ssetifvalue $0x7FFFFFFF;
	v1 =	vor.u32 $0x380, v0  }
0x49: {  	s18 =	sor.u32 s18, s18;
	s28 =	sadd.s32 $0x300, s20;
	(ifvalue) =	ssetifvalue $0x7FFFFFFF  }
0x4a: {  	[tilespmem:s28], [sflag:$0x1] =	stream.indirect_vreg.gather [hbm4b:s2+s13], $0x1, v2, vm0, $0x4038;
	[tilespmem:$0x8400] =	vst v63  }
0x4b: {  	s18 =	sor.u32 $0x380, s18;
	(ifvalue) =	ssetifvalue $0x7FFFFFFF;
	v2 =	vadd.s32 $0x7A1400, v0  }
0x4c: {  	s18 =	sadd.s32 s18, s17;
	(ifvalue) =	ssetifvalue $0x7FFFFFFF  }
0x4d: {  	[tilespmem:s18], [sflag:$0x1] =	stream.indirect_vreg.gather [hbm4b:s2+s13], $0x1, v1, vm0, $0x4038;
	[tilespmem:$0x8400] =	vst v63  }
0x4e: {  	(ifvalue) =	ssetifvalue $0x7FFFFFFF;
	v1 =	vadd.s32 $0x7A1480, v0  }
0x4f: {  	s29 =	sadd.s32 $0x1000, s20;
	(ifvalue) =	ssetifvalue $0x7FFFFFFF  }
0x50: {  	[tilespmem:s29], [sflag:$0x1] =	stream.indirect_vreg.gather [hbm4b:s2+s13], $0x1, v2, vm0, $0x4038;
	[tilespmem:$0x8400] =	vst v63  }
0x51: {  	(ifvalue) =	ssetifvalue $0x7FFFFFFF;
	v2 =	vadd.s32 $0x7A1500, v0  }
0x52: {  	s30 =	sadd.s32 $0x1080, s20;
	(ifvalue) =	ssetifvalue $0x7FFFFFFF  }
0x53: {  	[tilespmem:s30], [sflag:$0x1] =	stream.indirect_vreg.gather [hbm4b:s2+s13], $0x1, v1, vm0, $0x4038;
	[tilespmem:$0x8400] =	vst v63  }
0x54: {  	(ifvalue) =	ssetifvalue $0x7FFFFFFF;
	v1 =	vadd.s32 $0x7A1580, v0  }
0x55: {  	s31 =	sadd.s32 $0x1100, s20;
	(ifvalue) =	ssetifvalue $0x7FFFFFFF  }
0x56: {  	[tilespmem:s31], [sflag:$0x1] =	stream.indirect_vreg.gather [hbm4b:s2+s13], $0x1, v2, vm0, $0x4038;
	[tilespmem:$0x8400] =	vst v63  }
0x57: {  	(ifvalue) =	ssetifvalue $0x7FFFFFFF;
	v2 =	vadd.s32 $0x7A1600, v0  }
0x58: {  	s21 =	sadd.s32 $0x1180, s20;
	(ifvalue) =	ssetifvalue $0x7FFFFFFF  }
0x59: {  	[tilespmem:s21], [sflag:$0x1] =	stream.indirect_vreg.gather [hbm4b:s2+s13], $0x1, v1, vm0, $0x4038;
	[tilespmem:$0x8400] =	vst v63  }
0x5a: {  	(ifvalue) =	ssetifvalue $0x7FFFFFFF;
	v1 =	vadd.s32 $0x7A1680, v0  }
0x5b: {  	s22 =	sadd.s32 $0x1200, s20;
	(ifvalue) =	ssetifvalue $0x7FFFFFFF  }
0x5c: {  	[tilespmem:s22], [sflag:$0x1] =	stream.indirect_vreg.gather [hbm4b:s2+s13], $0x1, v2, vm0, $0x4038;
	[tilespmem:$0x8400] =	vst v63  }
0x5d: {  	(ifvalue) =	ssetifvalue $0x7FFFFFFF;
	v2 =	vadd.s32 $0x7A1700, v0  }
0x5e: {  	s23 =	sadd.s32 $0x1280, s20;
	(ifvalue) =	ssetifvalue $0x7FFFFFFF  }
0x5f: {  	[tilespmem:s23], [sflag:$0x1] =	stream.indirect_vreg.gather [hbm4b:s2+s13], $0x1, v1, vm0, $0x4038;
	[tilespmem:$0x8400] =	vst v63  }
0x60: {  	(ifvalue) =	ssetifvalue $0x7FFFFFFF;
	v1 =	vadd.s32 $0x7A1780, v0  }
0x61: {  	s24 =	sadd.s32 $0x1300, s20;
	(ifvalue) =	ssetifvalue $0x7FFFFFFF  }
0x62: {  	[tilespmem:s24], [sflag:$0x1] =	stream.indirect_vreg.gather [hbm4b:s2+s13], $0x1, v2, vm0, $0x4038;
	[tilespmem:$0x8400] =	vst v63  }
0x63: {  	(ifvalue) =	ssetifvalue $0x7FFFFFFF;
	v2 =	vadd.s32 $0xF42800, v0  }
0x64: {  	s25 =	sadd.s32 $0x1380, s20;
	(ifvalue) =	ssetifvalue $0x7FFFFFFF  }
0x65: {  	[tilespmem:s25], [sflag:$0x1] =	stream.indirect_vreg.gather [hbm4b:s2+s13], $0x1, v1, vm0, $0x4038;
	[tilespmem:$0x8400] =	vst v63  }
0x66: {  	(ifvalue) =	ssetifvalue $0x7FFFFFFF;
	v1 =	vadd.s32 $0xF42880, v0  }
0x67: {  	s26 =	sadd.s32 $0x2000, s20;
	(ifvalue) =	ssetifvalue $0x7FFFFFFF  }
0x68: {  	[tilespmem:s26], [sflag:$0x1] =	stream.indirect_vreg.gather [hbm4b:s2+s13], $0x1, v2, vm0, $0x4038;
	[tilespmem:$0x8400] =	vst v63  }
0x69: {  	(ifvalue) =	ssetifvalue $0x7FFFFFFF;
	v2 =	vadd.s32 $0xF42900, v0  }
0x6a: {  	s28 =	sadd.s32 $0x2080, s20;
	(ifvalue) =	ssetifvalue $0x7FFFFFFF  }
0x6b: {  	[tilespmem:s28], [sflag:$0x1] =	stream.indirect_vreg.gather [hbm4b:s2+s13], $0x1, v1, vm0, $0x4038;
	[tilespmem:$0x8400] =	vst v63  }
0x6c: {  	(ifvalue) =	ssetifvalue $0x7FFFFFFF;
	v1 =	vadd.s32 $0xF42980, v0  }
0x6d: {  	s29 =	sadd.s32 $0x2100, s20;
	(ifvalue) =	ssetifvalue $0x7FFFFFFF  }
0x6e: {  	[tilespmem:s29], [sflag:$0x1] =	stream.indirect_vreg.gather [hbm4b:s2+s13], $0x1, v2, vm0, $0x4038;
	[tilespmem:$0x8400] =	vst v63  }
0x6f: {  	(ifvalue) =	ssetifvalue $0x7FFFFFFF;
	v2 =	vadd.s32 $0xF42A00, v0  }
0x70: {  	s30 =	sadd.s32 $0x2180, s20;
	(ifvalue) =	ssetifvalue $0x7FFFFFFF  }
0x71: {  	[tilespmem:s30], [sflag:$0x1] =	stream.indirect_vreg.gather [hbm4b:s2+s13], $0x1, v1, vm0, $0x4038;
	[tilespmem:$0x8400] =	vst v63  }
0x72: {  	(ifvalue) =	ssetifvalue $0x7FFFFFFF;
	v1 =	vadd.s32 $0xF42A80, v0  }
0x73: {  	s31 =	sadd.s32 $0x2200, s20;
	(ifvalue) =	ssetifvalue $0x7FFFFFFF  }
0x74: {  	[tilespmem:s31], [sflag:$0x1] =	stream.indirect_vreg.gather [hbm4b:s2+s13], $0x1, v2, vm0, $0x4038;
	[tilespmem:$0x8400] =	vst v63  }
0x75: {  	(ifvalue) =	ssetifvalue $0x7FFFFFFF;
	v2 =	vadd.s32 $0xF42B00, v0  }
0x76: {  	s21 =	sadd.s32 $0x2280, s20;
	(ifvalue) =	ssetifvalue $0x7FFFFFFF  }
0x77: {  	[tilespmem:s21], [sflag:$0x1] =	stream.indirect_vreg.gather [hbm4b:s2+s13], $0x1, v1, vm0, $0x4038;
	[tilespmem:$0x8400] =	vst v63  }
0x78: {  	(ifvalue) =	ssetifvalue $0x7FFFFFFF;
	v1 =	vadd.s32 $0xF42B80, v0  }
0x79: {  	s22 =	sadd.s32 $0x2300, s20;
	(ifvalue) =	ssetifvalue $0x7FFFFFFF  }
0x7a: {  	[tilespmem:s22], [sflag:$0x1] =	stream.indirect_vreg.gather [hbm4b:s2+s13], $0x1, v2, vm0, $0x4038;
	[tilespmem:$0x8400] =	vst v63  }
0x7b: {  	(ifvalue) =	ssetifvalue $0x7FFFFFFF;
	v2 =	vadd.s32 $0x16E3C00, v0  }
0x7c: {  	s23 =	sadd.s32 $0x2380, s20;
	(ifvalue) =	ssetifvalue $0x7FFFFFFF  }
0x7d: {  	[tilespmem:s23], [sflag:$0x1] =	stream.indirect_vreg.gather [hbm4b:s2+s13], $0x1, v1, vm0, $0x4038;
	[tilespmem:$0x8400] =	vst v63  }
0x7e: {  	(ifvalue) =	ssetifvalue $0x7FFFFFFF;
	v1 =	vadd.s32 $0x16E3C80, v0  }
0x7f: {  	s24 =	sadd.s32 $0x3000, s20;
	(ifvalue) =	ssetifvalue $0x7FFFFFFF  }
0x80: {  	[tilespmem:s24], [sflag:$0x1] =	stream.indirect_vreg.gather [hbm4b:s2+s13], $0x1, v2, vm0, $0x4038;
	[tilespmem:$0x8400] =	vst v63  }
0x81: {  	(ifvalue) =	ssetifvalue $0x7FFFFFFF;
	v2 =	vadd.s32 $0x16E3D00, v0  }
0x82: {  	s25 =	sadd.s32 $0x3080, s20;
	(ifvalue) =	ssetifvalue $0x7FFFFFFF  }
0x83: {  	[tilespmem:s25], [sflag:$0x1] =	stream.indirect_vreg.gather [hbm4b:s2+s13], $0x1, v1, vm0, $0x4038;
	[tilespmem:$0x8400] =	vst v63  }
0x84: {  	(ifvalue) =	ssetifvalue $0x7FFFFFFF;
	v1 =	vadd.s32 $0x16E3D80, v0  }
0x85: {  	s26 =	sadd.s32 $0x3100, s20;
	(ifvalue) =	ssetifvalue $0x7FFFFFFF  }
0x86: {  	[tilespmem:s26], [sflag:$0x1] =	stream.indirect_vreg.gather [hbm4b:s2+s13], $0x1, v2, vm0, $0x4038;
	[tilespmem:$0x8400] =	vst v63  }
0x87: {  	(ifvalue) =	ssetifvalue $0x7FFFFFFF;
	v2 =	vadd.s32 $0x16E3E00, v0  }
0x88: {  	s28 =	sadd.s32 $0x3180, s20;
	(ifvalue) =	ssetifvalue $0x7FFFFFFF  }
0x89: {  	[tilespmem:s28], [sflag:$0x1] =	stream.indirect_vreg.gather [hbm4b:s2+s13], $0x1, v1, vm0, $0x4038;
	[tilespmem:$0x8400] =	vst v63  }
0x8a: {  	(ifvalue) =	ssetifvalue $0x7FFFFFFF;
	v1 =	vadd.s32 $0x16E3E80, v0  }
0x8b: {  	s29 =	sadd.s32 $0x3200, s20;
	(ifvalue) =	ssetifvalue $0x7FFFFFFF  }
0x8c: {  	[tilespmem:s29], [sflag:$0x1] =	stream.indirect_vreg.gather [hbm4b:s2+s13], $0x1, v2, vm0, $0x4038;
	[tilespmem:$0x8400] =	vst v63  }
0x8d: {  	(ifvalue) =	ssetifvalue $0x7FFFFFFF;
	v2 =	vadd.s32 $0x16E3F00, v0  }
0x8e: {  	s30 =	sadd.s32 $0x3280, s20;
	(ifvalue) =	ssetifvalue $0x7FFFFFFF  }
0x8f: {  	[tilespmem:s30], [sflag:$0x1] =	stream.indirect_vreg.gather [hbm4b:s2+s13], $0x1, v1, vm0, $0x4038;
	[tilespmem:$0x8400] =	vst v63  }
0x90: {  	v0 =	vadd.s32 $0x16E3F80, v0;
	(ifvalue) =	ssetifvalue $0x7FFFFFFF  }
0x91: {  	s31 =	sadd.s32 $0x3300, s20;
	(ifvalue) =	ssetifvalue $0x7FFFFFFF  }
0x92: {  	[tilespmem:s31], [sflag:$0x1] =	stream.indirect_vreg.gather [hbm4b:s2+s13], $0x1, v2, vm0, $0x4038;
	[tilespmem:$0x8400] =	vst v63  }
0x93: {  	s19 =	sadd.s32 $0x10, s19;
	s18 =	simm.s32 $0x10;
	(ifvalue) =	ssetifvalue $0x7FFFFFFF  }
0x94: {  	s21 =	sadd.s32 $0x3380, s20;
	s20 =	simm.s32 $0x80;
	(ifvalue) =	ssetifvalue $0x7FFFFFFF  }
.LBB2_3:
0x95: {  	[tilespmem:s21], [sflag:$0x1] =	stream.indirect_vreg.gather [hbm4b:s2+s13], $0x1, v0, vm0, $0x4038;
	[tilespmem:$0x8400] =	vst v63  }
0x96: {  	p1 =	sne.s32 s18, $0x1F0;
	s22 =	smov.u32 s18;
	s18 =	sadd.s32 $0x10, s18;
	v0 =	vld.msk [tilespmem:s19+$0x0 ss:$0x1], $0xffff  }
0x97: {  	(ifvalue) =	ssetifvalue $0x7FFFFFFF;
	_ =	sdelay $0x4  }
0x98: {  	vm1 =	vgt.s32 v0, $0x0  }
0x99: {  	v0 =	vnsel vm1, $0x0, v0  }
0x9a: {  	v0 =	vmin.u32 v0, $0xF423F  }
0x9b: {  	v1 =	vshll.u32 v0, $0x3  }
0x9c: {  	v0 =	vand.u32 $0x7F, v0;
	v1 =	vand.u32 $0x7FFC00, v1  }
0x9d: {  	v0 =	vor.u32 v0, v1;
	_ =	sdelay $0x1  }
0x9e: {  	s21 =	sand.u32 $0xC00, s20  }
0x9f: {  	s23 =	sand.u32 $0x70, s22;
	s21 =	sadd.s32 s21, s17;
	v1 =	vor.u32 $0x80, v0  }
0xa0: {  	s21 =	sadd.s32 s23, s21;
	(ifvalue) =	ssetifvalue $0x7FFFFFFF  }
0xa1: {  	[tilespmem:s21], [sflag:$0x1] =	stream.indirect_vreg.gather [hbm4b:s2+s13], $0x1, v0, vm0, $0x4038;
	[tilespmem:$0x8400] =	vst v63  }
0xa2: {  	v2 =	vor.u32 $0x100, v0;
	(ifvalue) =	ssetifvalue $0x7FFFFFFF  }
0xa3: {  	s23 =	sadd.s32 $0x80, s21;
	(ifvalue) =	ssetifvalue $0x7FFFFFFF  }
0xa4: {  	[tilespmem:s23], [sflag:$0x1] =	stream.indirect_vreg.gather [hbm4b:s2+s13], $0x1, v1, vm0, $0x4038;
	[tilespmem:$0x8400] =	vst v63  }
0xa5: {  	v1 =	vor.u32 $0x180, v0;
	(ifvalue) =	ssetifvalue $0x7FFFFFFF  }
0xa6: {  	s23 =	sadd.s32 $0x100, s21;
	(ifvalue) =	ssetifvalue $0x7FFFFFFF  }
0xa7: {  	[tilespmem:s23], [sflag:$0x1] =	stream.indirect_vreg.gather [hbm4b:s2+s13], $0x1, v2, vm0, $0x4038;
	[tilespmem:$0x8400] =	vst v63  }
0xa8: {  	v2 =	vor.u32 $0x200, v0;
	(ifvalue) =	ssetifvalue $0x7FFFFFFF  }
0xa9: {  	s23 =	sadd.s32 $0x180, s21;
	(ifvalue) =	ssetifvalue $0x7FFFFFFF  }
0xaa: {  	[tilespmem:s23], [sflag:$0x1] =	stream.indirect_vreg.gather [hbm4b:s2+s13], $0x1, v1, vm0, $0x4038;
	[tilespmem:$0x8400] =	vst v63  }
0xab: {  	v1 =	vor.u32 $0x280, v0;
	(ifvalue) =	ssetifvalue $0x7FFFFFFF  }
0xac: {  	s23 =	sadd.s32 $0x200, s21;
	(ifvalue) =	ssetifvalue $0x7FFFFFFF  }
0xad: {  	[tilespmem:s23], [sflag:$0x1] =	stream.indirect_vreg.gather [hbm4b:s2+s13], $0x1, v2, vm0, $0x4038;
	[tilespmem:$0x8400] =	vst v63  }
0xae: {  	v2 =	vor.u32 $0x300, v0;
	(ifvalue) =	ssetifvalue $0x7FFFFFFF  }
0xaf: {  	s23 =	sadd.s32 $0x280, s21;
	(ifvalue) =	ssetifvalue $0x7FFFFFFF  }
0xb0: {  	[tilespmem:s23], [sflag:$0x1] =	stream.indirect_vreg.gather [hbm4b:s2+s13], $0x1, v1, vm0, $0x4038;
	[tilespmem:$0x8400] =	vst v63  }
0xb1: {  	v1 =	vor.u32 $0x380, v0;
	(ifvalue) =	ssetifvalue $0x7FFFFFFF  }
0xb2: {  	s22 =	sor.u32 s20, s22;
	s23 =	sadd.s32 $0x300, s21;
	(ifvalue) =	ssetifvalue $0x7FFFFFFF  }
0xb3: {  	[tilespmem:s23], [sflag:$0x1] =	stream.indirect_vreg.gather [hbm4b:s2+s13], $0x1, v2, vm0, $0x4038;
	[tilespmem:$0x8400] =	vst v63  }
0xb4: {  	s22 =	sor.u32 $0x380, s22;
	v2 =	vadd.s32 $0x7A1400, v0;
	(ifvalue) =	ssetifvalue $0x7FFFFFFF  }
0xb5: {  	s22 =	sadd.s32 s22, s17;
	(ifvalue) =	ssetifvalue $0x7FFFFFFF  }
0xb6: {  	[tilespmem:s22], [sflag:$0x1] =	stream.indirect_vreg.gather [hbm4b:s2+s13], $0x1, v1, vm0, $0x4038;
	[tilespmem:$0x8400] =	vst v63  }
0xb7: {  	v1 =	vadd.s32 $0x7A1480, v0;
	(ifvalue) =	ssetifvalue $0x7FFFFFFF  }
0xb8: {  	s22 =	sadd.s32 $0x1000, s21;
	(ifvalue) =	ssetifvalue $0x7FFFFFFF  }
0xb9: {  	[tilespmem:s22], [sflag:$0x1] =	stream.indirect_vreg.gather [hbm4b:s2+s13], $0x1, v2, vm0, $0x4038;
	[tilespmem:$0x8400] =	vst v63  }
0xba: {  	v2 =	vadd.s32 $0x7A1500, v0;
	(ifvalue) =	ssetifvalue $0x7FFFFFFF  }
0xbb: {  	s22 =	sadd.s32 $0x1080, s21;
	(ifvalue) =	ssetifvalue $0x7FFFFFFF  }
0xbc: {  	[tilespmem:s22], [sflag:$0x1] =	stream.indirect_vreg.gather [hbm4b:s2+s13], $0x1, v1, vm0, $0x4038;
	[tilespmem:$0x8400] =	vst v63  }
0xbd: {  	v1 =	vadd.s32 $0x7A1580, v0;
	(ifvalue) =	ssetifvalue $0x7FFFFFFF  }
0xbe: {  	s22 =	sadd.s32 $0x1100, s21;
	(ifvalue) =	ssetifvalue $0x7FFFFFFF  }
0xbf: {  	[tilespmem:s22], [sflag:$0x1] =	stream.indirect_vreg.gather [hbm4b:s2+s13], $0x1, v2, vm0, $0x4038;
	[tilespmem:$0x8400] =	vst v63  }
0xc0: {  	v2 =	vadd.s32 $0x7A1600, v0;
	(ifvalue) =	ssetifvalue $0x7FFFFFFF  }
0xc1: {  	s22 =	sadd.s32 $0x1180, s21;
	(ifvalue) =	ssetifvalue $0x7FFFFFFF  }
0xc2: {  	[tilespmem:s22], [sflag:$0x1] =	stream.indirect_vreg.gather [hbm4b:s2+s13], $0x1, v1, vm0, $0x4038;
	[tilespmem:$0x8400] =	vst v63  }
0xc3: {  	v1 =	vadd.s32 $0x7A1680, v0;
	(ifvalue) =	ssetifvalue $0x7FFFFFFF  }
0xc4: {  	s22 =	sadd.s32 $0x1200, s21;
	(ifvalue) =	ssetifvalue $0x7FFFFFFF  }
0xc5: {  	[tilespmem:s22], [sflag:$0x1] =	stream.indirect_vreg.gather [hbm4b:s2+s13], $0x1, v2, vm0, $0x4038;
	[tilespmem:$0x8400] =	vst v63  }
0xc6: {  	v2 =	vadd.s32 $0x7A1700, v0;
	(ifvalue) =	ssetifvalue $0x7FFFFFFF  }
0xc7: {  	s22 =	sadd.s32 $0x1280, s21;
	(ifvalue) =	ssetifvalue $0x7FFFFFFF  }
0xc8: {  	[tilespmem:s22], [sflag:$0x1] =	stream.indirect_vreg.gather [hbm4b:s2+s13], $0x1, v1, vm0, $0x4038;
	[tilespmem:$0x8400] =	vst v63  }
0xc9: {  	v1 =	vadd.s32 $0x7A1780, v0;
	(ifvalue) =	ssetifvalue $0x7FFFFFFF  }
0xca: {  	s22 =	sadd.s32 $0x1300, s21;
	(ifvalue) =	ssetifvalue $0x7FFFFFFF  }
0xcb: {  	[tilespmem:s22], [sflag:$0x1] =	stream.indirect_vreg.gather [hbm4b:s2+s13], $0x1, v2, vm0, $0x4038;
	[tilespmem:$0x8400] =	vst v63  }
0xcc: {  	v2 =	vadd.s32 $0xF42800, v0;
	(ifvalue) =	ssetifvalue $0x7FFFFFFF  }
0xcd: {  	s22 =	sadd.s32 $0x1380, s21;
	(ifvalue) =	ssetifvalue $0x7FFFFFFF  }
0xce: {  	[tilespmem:s22], [sflag:$0x1] =	stream.indirect_vreg.gather [hbm4b:s2+s13], $0x1, v1, vm0, $0x4038;
	[tilespmem:$0x8400] =	vst v63  }
0xcf: {  	v1 =	vadd.s32 $0xF42880, v0;
	(ifvalue) =	ssetifvalue $0x7FFFFFFF  }
0xd0: {  	s22 =	sadd.s32 $0x2000, s21;
	(ifvalue) =	ssetifvalue $0x7FFFFFFF  }
0xd1: {  	[tilespmem:s22], [sflag:$0x1] =	stream.indirect_vreg.gather [hbm4b:s2+s13], $0x1, v2, vm0, $0x4038;
	[tilespmem:$0x8400] =	vst v63  }
0xd2: {  	v2 =	vadd.s32 $0xF42900, v0;
	(ifvalue) =	ssetifvalue $0x7FFFFFFF  }
0xd3: {  	s22 =	sadd.s32 $0x2080, s21;
	(ifvalue) =	ssetifvalue $0x7FFFFFFF  }
0xd4: {  	[tilespmem:s22], [sflag:$0x1] =	stream.indirect_vreg.gather [hbm4b:s2+s13], $0x1, v1, vm0, $0x4038;
	[tilespmem:$0x8400] =	vst v63  }
0xd5: {  	v1 =	vadd.s32 $0xF42980, v0;
	(ifvalue) =	ssetifvalue $0x7FFFFFFF  }
0xd6: {  	s22 =	sadd.s32 $0x2100, s21;
	(ifvalue) =	ssetifvalue $0x7FFFFFFF  }
0xd7: {  	[tilespmem:s22], [sflag:$0x1] =	stream.indirect_vreg.gather [hbm4b:s2+s13], $0x1, v2, vm0, $0x4038;
	[tilespmem:$0x8400] =	vst v63  }
0xd8: {  	v2 =	vadd.s32 $0xF42A00, v0;
	(ifvalue) =	ssetifvalue $0x7FFFFFFF  }
0xd9: {  	s22 =	sadd.s32 $0x2180, s21;
	(ifvalue) =	ssetifvalue $0x7FFFFFFF  }
0xda: {  	[tilespmem:s22], [sflag:$0x1] =	stream.indirect_vreg.gather [hbm4b:s2+s13], $0x1, v1, vm0, $0x4038;
	[tilespmem:$0x8400] =	vst v63  }
0xdb: {  	v1 =	vadd.s32 $0xF42A80, v0;
	(ifvalue) =	ssetifvalue $0x7FFFFFFF  }
0xdc: {  	s22 =	sadd.s32 $0x2200, s21;
	(ifvalue) =	ssetifvalue $0x7FFFFFFF  }
0xdd: {  	[tilespmem:s22], [sflag:$0x1] =	stream.indirect_vreg.gather [hbm4b:s2+s13], $0x1, v2, vm0, $0x4038;
	[tilespmem:$0x8400] =	vst v63  }
0xde: {  	v2 =	vadd.s32 $0xF42B00, v0;
	(ifvalue) =	ssetifvalue $0x7FFFFFFF  }
0xdf: {  	s22 =	sadd.s32 $0x2280, s21;
	(ifvalue) =	ssetifvalue $0x7FFFFFFF  }
0xe0: {  	[tilespmem:s22], [sflag:$0x1] =	stream.indirect_vreg.gather [hbm4b:s2+s13], $0x1, v1, vm0, $0x4038;
	[tilespmem:$0x8400] =	vst v63  }
0xe1: {  	v1 =	vadd.s32 $0xF42B80, v0;
	(ifvalue) =	ssetifvalue $0x7FFFFFFF  }
0xe2: {  	s22 =	sadd.s32 $0x2300, s21;
	(ifvalue) =	ssetifvalue $0x7FFFFFFF  }
0xe3: {  	[tilespmem:s22], [sflag:$0x1] =	stream.indirect_vreg.gather [hbm4b:s2+s13], $0x1, v2, vm0, $0x4038;
	[tilespmem:$0x8400] =	vst v63  }
0xe4: {  	v2 =	vadd.s32 $0x16E3C00, v0;
	(ifvalue) =	ssetifvalue $0x7FFFFFFF  }
0xe5: {  	s22 =	sadd.s32 $0x2380, s21;
	(ifvalue) =	ssetifvalue $0x7FFFFFFF  }
0xe6: {  	[tilespmem:s22], [sflag:$0x1] =	stream.indirect_vreg.gather [hbm4b:s2+s13], $0x1, v1, vm0, $0x4038;
	[tilespmem:$0x8400] =	vst v63  }
0xe7: {  	v1 =	vadd.s32 $0x16E3C80, v0;
	(ifvalue) =	ssetifvalue $0x7FFFFFFF  }
0xe8: {  	s22 =	sadd.s32 $0x3000, s21;
	(ifvalue) =	ssetifvalue $0x7FFFFFFF  }
0xe9: {  	[tilespmem:s22], [sflag:$0x1] =	stream.indirect_vreg.gather [hbm4b:s2+s13], $0x1, v2, vm0, $0x4038;
	[tilespmem:$0x8400] =	vst v63  }
0xea: {  	v2 =	vadd.s32 $0x16E3D00, v0;
	(ifvalue) =	ssetifvalue $0x7FFFFFFF  }
0xeb: {  	s22 =	sadd.s32 $0x3080, s21;
	(ifvalue) =	ssetifvalue $0x7FFFFFFF  }
0xec: {  	[tilespmem:s22], [sflag:$0x1] =	stream.indirect_vreg.gather [hbm4b:s2+s13], $0x1, v1, vm0, $0x4038;
	[tilespmem:$0x8400] =	vst v63  }
0xed: {  	v1 =	vadd.s32 $0x16E3D80, v0;
	(ifvalue) =	ssetifvalue $0x7FFFFFFF  }
0xee: {  	s22 =	sadd.s32 $0x3100, s21;
	(ifvalue) =	ssetifvalue $0x7FFFFFFF  }
0xef: {  	[tilespmem:s22], [sflag:$0x1] =	stream.indirect_vreg.gather [hbm4b:s2+s13], $0x1, v2, vm0, $0x4038;
	[tilespmem:$0x8400] =	vst v63  }
0xf0: {  	v2 =	vadd.s32 $0x16E3E00, v0;
	(ifvalue) =	ssetifvalue $0x7FFFFFFF  }
0xf1: {  	s22 =	sadd.s32 $0x3180, s21;
	(ifvalue) =	ssetifvalue $0x7FFFFFFF  }
0xf2: {  	[tilespmem:s22], [sflag:$0x1] =	stream.indirect_vreg.gather [hbm4b:s2+s13], $0x1, v1, vm0, $0x4038;
	[tilespmem:$0x8400] =	vst v63  }
0xf3: {  	v1 =	vadd.s32 $0x16E3E80, v0;
	(ifvalue) =	ssetifvalue $0x7FFFFFFF  }
0xf4: {  	s22 =	sadd.s32 $0x3200, s21;
	(ifvalue) =	ssetifvalue $0x7FFFFFFF  }
0xf5: {  	[tilespmem:s22], [sflag:$0x1] =	stream.indirect_vreg.gather [hbm4b:s2+s13], $0x1, v2, vm0, $0x4038;
	[tilespmem:$0x8400] =	vst v63  }
0xf6: {  	v2 =	vadd.s32 $0x16E3F00, v0;
	(ifvalue) =	ssetifvalue $0x7FFFFFFF  }
0xf7: {  	s22 =	sadd.s32 $0x3280, s21;
	(ifvalue) =	ssetifvalue $0x7FFFFFFF  }
0xf8: {  	[tilespmem:s22], [sflag:$0x1] =	stream.indirect_vreg.gather [hbm4b:s2+s13], $0x1, v1, vm0, $0x4038;
	[tilespmem:$0x8400] =	vst v63  }
.Ltmp3:
0xf9: {  	v0 =	vadd.s32 $0x16E3F80, v0;
	(ifvalue) =	ssetifvalue $0x7FFFFFFF;
	(pc) =	sbr.rel @p1 .LBB2_3-.Ltmp3, $4  }
0xfa: {  	s22 =	sadd.s32 $0x3300, s21;
	(ifvalue) =	ssetifvalue $0x7FFFFFFF  }
0xfb: {  	[tilespmem:s22], [sflag:$0x1] =	stream.indirect_vreg.gather [hbm4b:s2+s13], $0x1, v2, vm0, $0x4038;
	[tilespmem:$0x8400] =	vst v63  }
0xfc: {  	s19 =	sadd.s32 $0x10, s19;
	(ifvalue) =	ssetifvalue $0x7FFFFFFF  }
0xfd: {  	s20 =	sadd.s32 $0x80, s20;
	s21 =	sadd.s32 $0x3380, s21;
	(ifvalue) =	ssetifvalue $0x7FFFFFFF  }
.Ltmp4:
0xfe: {  	_ = 	snop;
	(pc) =	sbr.rel .LBB2_4-.Ltmp4, $1  }
0xff: {  	_ =	sdelay $0x3  }
.LBB2_6:
0x100: {  	_ =	sfence.sel $0x180000  }
0x101: {  	s2 =	simm.s32 $0x2;
	[bflag:$0x0] =	sbarrier.arrive $0xFFFF  }
0x102: {  	s30 =	simm.s32 $0x3;
	[sflag:s2] =	ssyncpa.u1 $0x1  }
0x103: {  	s31 =	simm.s32 $0x1;
	[sflag:s30] =	ssyncpa.u1 $0x1  }
0x104: {  	[sflag:s31] =	ssyncpa.u1 $0x1  }
0x105: {  	p0 =	sne.s32 s0, $0x0;
	_ =	strace $0x90000050  }
0x106: {  	s0 =	sadd.s32 @!p0 $0x100000, s1;
	[bflag:$0x2] =	sbarrier.arrive $0xFFFF  }
0x107: {  	[sflag:s0] =	ssyncadd.tile.s32 @!p0 $0x1;
	_ =	shalt  }
.Lfunc_end2:
_tile_overlayer_lowered:
.L_overlay_start_2:
0x108: {  	(tag) =	ssettag $0x2  }
0x109: {  	s0 =	rddreg [dreg:$0x0];
	s2 =	stileid.u32  }
0x10a: {  	s1 =	rddreg [dreg:$0x1];
	p0 =	sne.s32 s2, $0x0  }
0x10b: {  	s3 =	rddreg [dreg:$0x2];
	[bflag:$0x3] =	sbarrier.arrive $0xFFFF;
	s2 =	simm.s32 @!p0 $0x1C01  }
0x10c: {  	[timem:s3], [sflag:s2] =	dma.local @!p0 [hbm:s0], s1  }
0x10d: {  	s0 =	simm.s32 @!p0 $0x1  }
0x10e: {  	_ =	swait.ge @!p0 [sflag:s0], s1  }
0x10f: {  	s1 =	ssub.s32 @!p0 $0x0, s1;
	[sflag:s0] =	ssyncset.done @!p0 $0x0  }
0x110: {  	[sflag:s0] =	ssyncadd.s32 @!p0 s1  }
0x111: {  	[bflag:$0x3] =	sbarrier.arrive $0xFFFF  }
0x112: {  	_ =	shalt  }

// kernel: gather_offload_async_start.2
scs
__scs_entry_jumppad:
0x0: {  	(pc) =	sbr.rel $0x88, $3  }
0x1: {  	(tag) =	ssettag $0x0;
	lr =	simm.s32 $0x1  }
0x2: {  	[smem:$0x3F91] =	sst lr;
	_ =	strace $0xD0000000  }
0x3: {  	_ = 	snop  }
0x4: {  	_ = 	snop  }
0x5: {  	_ = 	snop  }
0x6: {  	_ = 	snop  }
0x7: {  	_ = 	snop  }
__scs_overlays_trampoline_lowered:
0x8: {  	[smem:$0x3FA0] =	sst s0  }
0x9: {  	[smem:$0x3FA1] =	sst s1  }
0xa: {  	[smem:$0x3FA2] =	sst s2  }
0xb: {  	[smem:$0x3FA3] =	sst s3  }
0xc: {  	[smem:$0x3FA4] =	sst s4  }
0xd: {  	[smem:$0x3FA5] =	sst s5  }
0xe: {  	[smem:$0x3FA6] =	sst s6  }
0xf: {  	[smem:$0x3FA7] =	sst s7  }
0x10: {  	[smem:$0x3FA8] =	sst s8  }
0x11: {  	[smem:$0x3FA9] =	sst s9;
	s0 =	simm.s32 @!p0 $0x0  }
0x12: {  	s1 =	sld [smem:$0x3F8F];
	s0 =	simm.s32 @p0 $0x1  }
0x13: {  	[smem:$0x3FAA] =	sst s0;
	s0 =	simm.s32 @!p1 $0x0  }
0x14: {  	s2 =	sld [smem:$0x3F8E];
	s0 =	simm.s32 @p1 $0x1  }
0x15: {  	[smem:$0x3FAB] =	sst s0;
	s0 =	simm.s32 @!p2 $0x0  }
0x16: {  	s3 =	sld [smem:$0x3FDB];
	s0 =	simm.s32 @p2 $0x1  }
0x17: {  	s4 =	simm.s32 $0x1BF5;
	[smem:$0x3FAD] =	sst s0  }
0x18: {  	s0 =	sld [smem:$0x3F90];
	_ =	swait.ge [sflag:s4], $0x0  }
0x19: {  	s7 =	sld [smem:$0x3F91]  }
0x1a: {  	s8 =	sadd.s32 $0xFFFFE003, lr  }
0x1b: {  	s9 =	sadd.s32 $0xFFFFFEF7, lr;
	s5 =	simm.s32 $0xFFFFFFFF;
	p2 =	slt.u32 s8, $0xFFFFF086  }
0x1c: {  	p1 =	slt.u32 s9, $0xF7A;
	s5 =	simm.s32 @!p2 $0x0  }
0x1d: {  	s5 =	simm.s32 @p1 $0x1;
	p0 =	seq.s32 s7, s2  }
0x1e: {  	s7 =	smul.u32 @!p0 $0xF7A, s2;
	p2 =	seq.s32 @!p0 s5, $0x0  }
0x1f: {  	s9 =	smul.u32 $0xF7A, s1;
	s8 =	simm.s32 @!p0 $0x1BF5;
	p2 =	por !p2, p0  }
0x20: {  	[sflag:s8] =	ssyncset.s32 @!p0 $0xFFFFF086;
	s6 =	sadd.s32 @!p0 s3, s7;
	s7 =	simm.s32 @!p0 $0x108  }
0x21: {  	s3 =	sadd.s32 s3, s9;
	s6 =	sadd.s32 @!p0 $0x88, s6;
	s7 =	simm.s32 @p2 $0x1082  }
0x22: {  	[simem:s7], [sflag:s8] =	dma.local @!p0 [hbm:s6], $0xF7A  }
0x23: {  	s9 =	sor.u32 $0xD0000000, s2;
	s6 =	simm.s32 $0x108;
	_ =	swait.ge @!p0 [sflag:s8], $0x0  }
0x24: {  	s3 =	sadd.s32 $0x88, s3;
	s6 =	simm.s32 @!p1 $0x1082;
	[sflag:s4] =	ssyncset.s32 $0xFFFFF086  }
0x25: {  	[simem:s6], [sflag:s4] =	dma.local [hbm:s3], $0xF7A  }
0x26: {  	[smem:$0x3F91] =	sst s1;
	(tag) =	ssettag s2;
	_ =	strace s9  }
0x27: {  	s1 =	sld [smem:$0x3FA1]  }
0x28: {  	s2 =	sld [smem:$0x3FA2]  }
0x29: {  	s4 =	sld [smem:$0x3FA4]  }
0x2a: {  	p0 =	seq.s32 s5, $0x0;
	s5 =	sld [smem:$0x3FA5]  }
0x2b: {  	s6 =	sld [smem:$0x3FA6]  }
0x2c: {  	s7 =	sld [smem:$0x3FA7]  }
0x2d: {  	s3 =	simm.s32 $0x108;
	s8 =	sld [smem:$0x3FA8]  }
0x2e: {  	s3 =	simm.s32 @!p0 $0x1082;
	s9 =	sld [smem:$0x3FA9]  }
0x2f: {  	lr =	sadd.s32 s0, s3;
	s0 =	sld [smem:$0x3FA0]  }
0x30: {  	s3 =	sld [smem:$0x3FA3]  }
0x31: {  	[smem:$0x3FAC] =	sst s10  }
0x32: {  	s10 =	sld [smem:$0x3FAA];
	_ =	sdelay $0x3  }
0x33: {  	p0 =	seq.s32 s10, $0x1;
	s10 =	sld [smem:$0x3FAC];
	_ =	sdelay $0x3  }
0x34: {  	[smem:$0x3FAC] =	sst s10  }
0x35: {  	s10 =	sld [smem:$0x3FAB];
	_ =	sdelay $0x3  }
0x36: {  	p1 =	seq.s32 s10, $0x1;
	s10 =	sld [smem:$0x3FAC];
	_ =	sdelay $0x3  }
0x37: {  	[smem:$0x3FAC] =	sst s10  }
0x38: {  	s10 =	sld [smem:$0x3FAD]  }
0x39: {  	_ = 	snop;
	(pc) =	sbr.ind lr, $3  }
0x3a: {  	_ = 	snop  }
0x3b: {  	_ = 	snop  }
0x3c: {  	p2 =	seq.s32 s10, $0x1;
	s10 =	sld [smem:$0x3FAC]  }
0x3d: {  	_ =	shalt  }
0x3e: {  	_ =	shalt  }
0x3f: {  	_ =	shalt  }
0x40: {  	_ =	shalt  }
0x41: {  	_ =	shalt  }
0x42: {  	_ =	shalt  }
0x43: {  	_ =	shalt  }
0x44: {  	_ =	shalt  }
0x45: {  	_ =	shalt  }
0x46: {  	_ =	shalt  }
0x47: {  	_ =	shalt  }
0x48: {  	_ =	shalt  }
0x49: {  	_ =	shalt  }
0x4a: {  	_ =	shalt  }
0x4b: {  	_ =	shalt  }
0x4c: {  	_ =	shalt  }
0x4d: {  	_ =	shalt  }
0x4e: {  	_ =	shalt  }
0x4f: {  	_ =	shalt  }
0x50: {  	_ =	shalt  }
0x51: {  	_ =	shalt  }
0x52: {  	_ =	shalt  }
0x53: {  	_ =	shalt  }
0x54: {  	_ =	shalt  }
0x55: {  	_ =	shalt  }
0x56: {  	_ =	shalt  }
0x57: {  	_ =	shalt  }
0x58: {  	_ =	shalt  }
0x59: {  	_ =	shalt  }
0x5a: {  	_ =	shalt  }
0x5b: {  	_ =	shalt  }
0x5c: {  	_ =	shalt  }
0x5d: {  	_ =	shalt  }
0x5e: {  	_ =	shalt  }
0x5f: {  	_ =	shalt  }
0x60: {  	_ =	shalt  }
0x61: {  	_ =	shalt  }
0x62: {  	_ =	shalt  }
0x63: {  	_ =	shalt  }
0x64: {  	_ =	shalt  }
0x65: {  	_ =	shalt  }
0x66: {  	_ =	shalt  }
0x67: {  	_ =	shalt  }
0x68: {  	_ =	shalt  }
0x69: {  	_ =	shalt  }
0x6a: {  	_ =	shalt  }
0x6b: {  	_ =	shalt  }
0x6c: {  	_ =	shalt  }
0x6d: {  	_ =	shalt  }
0x6e: {  	_ =	shalt  }
0x6f: {  	_ =	shalt  }
0x70: {  	_ =	shalt  }
0x71: {  	_ =	shalt  }
0x72: {  	_ =	shalt  }
0x73: {  	_ =	shalt  }
0x74: {  	_ =	shalt  }
0x75: {  	_ =	shalt  }
0x76: {  	_ =	shalt  }
0x77: {  	_ =	shalt  }
0x78: {  	_ =	shalt  }
0x79: {  	_ =	shalt  }
0x7a: {  	_ =	shalt  }
0x7b: {  	_ =	shalt  }
0x7c: {  	_ =	shalt  }
0x7d: {  	_ =	shalt  }
0x7e: {  	_ =	shalt  }
0x7f: {  	_ =	shalt  }
0x80: {  	_ =	shalt  }
0x81: {  	_ =	shalt  }
0x82: {  	_ =	shalt  }
0x83: {  	_ =	shalt  }
0x84: {  	_ =	shalt  }
0x85: {  	_ =	shalt  }
0x86: {  	_ =	shalt  }
0x87: {  	_ =	shalt  }
.Lfunc_end0:
.L_simem_size_0:
called_computation.2_lowered:
.L_overlay_start_0:
0x88: {  	s2 =	sld [smem:$0x3FD9]  }
0x89: {  	s3 =	sld [smem:$0x3FFE];
	_ =	sdelay $0x1  }
0x8a: {  	s1 =	srdreg.scid  }
0x8b: {  	s0 =	sand.u32 $0x1, s1  }
0x8c: {  	s17 =	sshll.u32 s0, $0xA;
	s2 =	sadd.s32 s3, s2  }
0x8d: {  	s2 =	sadd.s32 s2, s17  }
0x8e: {  	[smem:$0x3FB8] =	sst s2  }
0x8f: {  	_ = 	snop  }
0x90: {  	s2 =	sld [smem:$0x3FC7]  }
0x91: {  	s18 =	sld [smem:$0x3FD0];
	(tm) =	ssettm $0x1  }
0x92: {  	s4 =	sld [smem:$0x3FFB];
	_ =	sdelay $0x3  }
0x93: {  	_ =	strace s4  }
0x94: {  	s4 =	sld [smem:$0x3FFC];
	_ =	sdelay $0x3  }
0x95: {  	_ =	strace s4  }
0x96: {  	s4 =	sld [smem:$0x3FFD];
	_ =	sdelay $0x3  }
0x97: {  	_ =	strace s4  }
0x98: {  	_ =	strace $0x8FFFFFFF  }
0x99: {  	s19 =	sld [smem:$0x3FDB];
	_ =	sdelay $0x1  }
0x9a: {  	s5 =	simm.s32 $_scs_section_size  }
0x9b: {  	s6 =	simm.s32 $_size__tile_overlayer_lowered;
	s7 =	simm.s32 $_tile_overlayer_lowered  }
0x9c: {  	s22 =	simm.s32 $0x1BFF;
	s21 =	sshll.u32 s7, $0x1;
	s4 =	sadd.s32 s5, s19  }
0x9d: {  	s8 =	simm.s32 $0x0;
	s20 =	sshll.u32 s6, $0x1;
	s6 =	sadd.s32 s21, s4  }
0x9e: {  	[timem:s8], [sflag:s22] =	dma.local [hbm:s6], s20  }
0x9f: {  	_ =	swait.ge [sflag:s22], s20  }
0xa0: {  	s5 =	ssub.s32 $0x0, s20;
	[sflag:s22] =	ssyncset.done $0x0  }
0xa1: {  	[sflag:s22] =	ssyncadd.s32 s5;
	_ =	sdelay $0x1  }
0xa2: {  	s23 =	simm.s32 $0x1B8B  }
0xa3: {  	_ =	swait.ge [sflag:s23], $0x1  }
0xa4: {  	[sflag:s23] =	ssyncset.done $0x0  }
0xa5: {  	s25 =	simm.s32 $0x1B8E;
	s24 =	sld [smem:$0x3FFE];
	[sflag:s23] =	ssyncadd.s32 $0xFFFFFFFF  }
0xa6: {  	s26 =	simm.s32 $execute0_lowered;
	[smem:$0x3FD2] =	sst s25  }
0xa7: {  	s6 =	sshll.u32 s26, $0x1;
	_ =	strace $0x80000046;
	[dreg:$0x1] =	wrdreg $0xFFFFFFFF  }
0xa8: {  	s28 =	simm.s32 $_size_execute0_lowered;
	s4 =	sadd.s32 s4, s6;
	[dreg:$0x0] =	wrdreg $0x0  }
0xa9: {  	s6 =	sshll.u32 s28, $0x1;
	[dreg:$0x2] =	wrdreg s4  }
0xaa: {  	[dreg:$0x3] =	wrdreg s6  }
0xab: {  	[dreg:$0x4] =	wrdreg $0xC0  }
0xac: {  	_ =	task [dreg:s8], $0x5FFFF  }
0xad: {  	[dreg:$0x1] =	wrdreg $0xFFFFFFFF  }
0xae: {  	[dreg:$0x0] =	wrdreg $0x60  }
0xaf: {  	[dreg:$0x2] =	wrdreg s2  }
0xb0: {  	[dreg:$0x3] =	wrdreg s18  }
0xb1: {  	[dreg:$0x4] =	wrdreg s24  }
0xb2: {  	[dreg:$0x5] =	wrdreg $0xB  }
0xb3: {  	_ =	task.clear_ibuf [dreg:s8], $0x6FFFF;
	_ =	strace $0x90000046  }
0xb4: {  	s29 =	simm.s32 $0xB;
	_ =	strace $0x80000048  }
0xb5: {  	_ =	swait.ge [sflag:s29], $0x1  }
0xb6: {  	[sflag:s29] =	ssyncadd.s32 $0xFFFFFFFF  }
0xb7: {  	_ =	strace $0x90000048  }
0xb8: {  	_ =	sfence  }
0xb9: {  	s30 =	sld [smem:$0x0];
	_ =	sdelay $0x2  }
0xba: {  	s31 =	sshll.u32 s1, $0xD;
	s1 =	sshrl.u32 s1, $0x2  }
0xbb: {  	s3 =	sand.u32 $0x4000, s31;
	s1 =	sadd.s32 s1, s30  }
0xbc: {  	s0 =	sor.u32 s3, s0;
	s1 =	sshll.u32 s1, $0x11  }
0xbd: {  	s0 =	sor.u32 s1, s0  }
0xbe: {  	s0 =	sadd.s32 $0x8F2B, s0  }
0xbf: {  	[sflag:s0] =	ssyncadd.remote.s32 $0x1  }
0xc0: {  	_ =	sfence.sel $0xFFFF  }
0xc1: {  	[dreg:$0x0] =	wrdreg $0xFFFFFFFF;
	(pc) =	sbr.abs _section_cstart, $3  }
0xc2: {  	[dreg:$0x1] =	wrdreg $0xFFFFFFFF  }
0xc3: {  	_ =	task.clear_ibuf [dreg:s8], $0x2FFFF;
	_ =	strace $0x9FFFFFFF  }
0xc4: {  	(tm) =	ssettm $0x7FFFFFFF  }
0xc5: {  	_ =	shalt  }
tec
execute0_lowered:
.L_overlay_start_1:
0x0: {  	(tag) =	ssettag $0x1  }
0x1: {  	s2 =	rddreg [dreg:$0x0]  }
0x2: {  	s8 =	rddreg [dreg:$0x1];
	s0 =	srdreg.scid  }
0x3: {  	s11 =	rddreg [dreg:$0x2];
	s1 =	stileid.u32;
	s5 =	simm.s32 $0x1  }
0x4: {  	s6 =	simm.s32 $0x2;
	s10 =	simm.s32 $0x3;
	s13 =	simm.s32 $0x0  }
0x5: {  	s15 =	simm.s32 $0x0;
	s3 =	sshll.u32 s0, $0x9;
	s0 =	rddreg [dreg:$0x3]  }
0x6: {  	s4 =	sshll.u32 s1, $0xA;
	_ =	strace $0x80000047;
	s3 =	sand.u32 $0x200, s3  }
0x7: {  	s14 =	simm.s32 $0x0;
	[sflag:s5] =	ssyncpa.u1 $0x0;
	s3 =	sor.u32 s4, s3  }
0x8: {  	s4 =	sadd.s32 $0x2A00, s11;
	[sflag:s6] =	ssyncpa.u1 $0x0;
	s7 =	ssub.s32 $0x4000, s3  }
.Ltmp0:
0x9: {  	[sflag:s10] =	ssyncpa.u1 $0x0;
	s9 =	sand.u32 $0x3E00, s7;
	(pc) =	sbr.rel .LBB2_1-.Ltmp0, $4  }
0xa: {  	s31 =	sshrl.u32 s3, $0x3;
	p0 =	sne.s32 s9, $0x0;
	s9 =	simm.s32 $0x1  }
0xb: {  	s10 =	sadd.s32 $0xAA00, s11;
	s7 =	sshrl.u32 s7, $0xE;
	s9 =	simm.s32 @!p0 $0x0  }
0xc: {  	s8 =	sadd.s32 s8, s31;
	p0 =	por $0x0, $0x0;
	s7 =	sadd.s32 s9, s7  }
0xd: {  	vm0 =	vmmov $0xffff;
	s9 =	sadd.s32 $0x6A00, s11;
	s11 =	sadd.s32 $0xEA00, s11;
	s12 =	sadd.s32 $0x1, s7  }
.LBB2_4:
0xe: {  	_ =	sdelay $0x3  }
0xf: {  	[tilespmem:s21], [sflag:$0x1] =	stream.indirect_vreg.gather [hbm4b:s2+s13], $0x1, v0, vm0, $0x4038;
	[tilespmem:$0x8400] =	vst v63  }
0x10: {  	s18 =	sshll.u32 s15, $0x3  }
0x11: {  	s24 =	sand.u32 $0x78, s15;
	s18 =	sand.u32 $0x7FFFFC00, s18  }
0x12: {  	_ =	swait.ge [sflag:s5], $0x4000;
	s15 =	sor.u32 s24, s18  }
0x13: {  	[sflag:s5] =	ssyncset.done $0x0;
	s15 =	sshrl.u32 s15, $0x3  }
0x14: {  	[sflag:s5] =	ssyncadd.s32 $0xFFFFC000;
	s25 =	sadd.s32 s4, s15  }
0x15: {  	[hbm:s25] =	stream.linear.scatter [tilespmem:s17], [sflag:$0x3], $0x1000, $0x38;
	[tilespmem:$0x8400] =	vst v63  }
0x16: {  	s26 =	sadd.s32 $0x1400, s16;
	s28 =	sadd.s32 s15, s9  }
0x17: {  	[hbm:s28] =	stream.linear.scatter [tilespmem:s26], [sflag:$0x3], $0x1000, $0x38;
	[tilespmem:$0x8400] =	vst v63  }
0x18: {  	s29 =	sadd.s32 $0x2400, s16;
	s30 =	sadd.s32 s15, s10  }
0x19: {  	[hbm:s30] =	stream.linear.scatter [tilespmem:s29], [sflag:$0x3], $0x1000, $0x38;
	[tilespmem:$0x8400] =	vst v63  }
0x1a: {  	s31 =	sadd.s32 $0x3400, s16;
	s15 =	sadd.s32 s15, s11  }
0x1b: {  	[hbm:s15] =	stream.linear.scatter [tilespmem:s31], [sflag:$0x3], $0x1000, $0x38;
	[tilespmem:$0x8400] =	vst v63  }
.LBB2_5:
0x1c: {  	p2 =	sne.s32 s14, s12  }
.Ltmp1:
0x1d: {  	p1 =	slt.u32 s14, $0x2;
	(pc) =	sbr.rel @!p2 .LBB2_6-.Ltmp1, $4  }
0x1e: {  	s15 =	simm.s32 @!p1 $0x3  }
0x1f: {  	_ =	swait.ge @!p1 [sflag:s15], $0x4000  }
0x20: {  	s16 =	sadd.s32 $0x1, s14;
	p0 =	por !p0, !p0;
	[sflag:s15] =	ssyncset.done @!p1 $0x0  }
0x21: {  	s14 =	smov.u32 s16;
	[sflag:s15] =	ssyncadd.s32 @!p1 $0xFFFFC000;
	s15 =	smov.u32 s3  }
.LBB2_1:
0x22: {  	p1 =	sge.u32 s14, s7  }
0x23: {  	s16 =	sxor.u32 @!p1 $0xFFFFFFFF, s14  }
0x24: {  	s16 =	sshll.u32 @!p1 s16, $0x9  }
0x25: {  	s31 =	sadd.s32 $0xFFFFFFFF, s14;
	s17 =	simm.s32 @!p1 $0x0;
	s16 =	sand.u32 @!p1 $0x200, s16  }
0x26: {  	[tilespmem:s16], [sflag:$0x2] =	stream.linear.gather @!p1 [hbm4b:s8+s17], $0x200, $0x38;
	[tilespmem:$0x8400] =	vst v63  }
0x27: {  	p1 =	sge.u32 s31, s7  }
.Ltmp2:
0x28: {  	_ = 	snop;
	(pc) =	sbr.rel @p1 .LBB2_5-.Ltmp2, $1  }
0x29: {  	_ =	sdelay $0x3  }
0x2a: {  	s16 =	simm.s32 $0x1;
	_ =	swait.ge [sflag:s6], $0x200  }
0x2b: {  	s16 =	simm.s32 @!p0 $0x0;
	[sflag:s6] =	ssyncset.done $0x0  }
0x2c: {  	s19 =	sshll.u32 s16, $0x9;
	[sflag:s6] =	ssyncadd.s32 $0xFFFFFE00  }
0x2d: {  	v0 =	vld.msk [tilespmem:s19+$0x0 ss:$0x1], $0xffff;
	_ =	sdelay $0x4  }
0x2e: {  	vm1 =	vgt.s32 v0, $0x0  }
0x2f: {  	v0 =	vnsel vm1, $0x0, v0  }
0x30: {  	v0 =	vmin.u32 v0, $0xF423F  }
0x31: {  	v1 =	vshll.u32 v0, $0x3  }
0x32: {  	v0 =	vand.u32 $0x7F, v0;
	v1 =	vand.u32 $0x7FFC00, v1  }
0x33: {  	s22 =	sshll.u32 s14, $0xE;
	v0 =	vor.u32 v0, v1  }
0x34: {  	s18 =	simm.s32 $0x0;
	s16 =	sand.u32 $0x4000, s22  }
0x35: {  	s20 =	sand.u32 $0xC00, s18;
	s17 =	sor.u32 $0x400, s16  }
0x36: {  	s21 =	sand.u32 $0x70, s18;
	(ifvalue) =	ssetifvalue $0x7FFFFFFF;
	s20 =	sadd.s32 s20, s17;
	v1 =	vor.u32 $0x80, v0  }
0x37: {  	(ifvalue) =	ssetifvalue $0x7FFFFFFF;
	s20 =	sadd.s32 s21, s20  }
0x38: {  	[tilespmem:s20], [sflag:$0x1] =	stream.indirect_vreg.gather [hbm4b:s2+s13], $0x1, v0, vm0, $0x4038;
	[tilespmem:$0x8400] =	vst v63  }
0x39: {  	v2 =	vor.u32 $0x100, v0;
	(ifvalue) =	ssetifvalue $0x7FFFFFFF  }
0x3a: {  	s21 =	sadd.s32 $0x80, s20;
	(ifvalue) =	ssetifvalue $0x7FFFFFFF  }
0x3b: {  	[tilespmem:s21], [sflag:$0x1] =	stream.indirect_vreg.gather [hbm4b:s2+s13], $0x1, v1, vm0, $0x4038;
	[tilespmem:$0x8400] =	vst v63  }
0x3c: {  	v1 =	vor.u32 $0x180, v0;
	(ifvalue) =	ssetifvalue $0x7FFFFFFF  }
0x3d: {  	s23 =	sadd.s32 $0x100, s20;
	(ifvalue) =	ssetifvalue $0x7FFFFFFF  }
0x3e: {  	[tilespmem:s23], [sflag:$0x1] =	stream.indirect_vreg.gather [hbm4b:s2+s13], $0x1, v2, vm0, $0x4038;
	[tilespmem:$0x8400] =	vst v63  }
0x3f: {  	v2 =	vor.u32 $0x200, v0;
	(ifvalue) =	ssetifvalue $0x7FFFFFFF  }
0x40: {  	s24 =	sadd.s32 $0x180, s20;
	(ifvalue) =	ssetifvalue $0x7FFFFFFF  }
0x41: {  	[tilespmem:s24], [sflag:$0x1] =	stream.indirect_vreg.gather [hbm4b:s2+s13], $0x1, v1, vm0, $0x4038;
	[tilespmem:$0x8400] =	vst v63  }
0x42: {  	(ifvalue) =	ssetifvalue $0x7FFFFFFF;
	v1 =	vor.u32 $0x280, v0  }
0x43: {  	s25 =	sadd.s32 $0x200, s20;
	(ifvalue) =	ssetifvalue $0x7FFFFFFF  }
0x44: {  	[tilespmem:s25], [sflag:$0x1] =	stream.indirect_vreg.gather [hbm4b:s2+s13], $0x1, v2, vm0, $0x4038;
	[tilespmem:$0x8400] =	vst v63  }
0x45: {  	(ifvalue) =	ssetifvalue $0x7FFFFFFF;
	v2 =	vor.u32 $0x300, v0  }
0x46: {  	s26 =	sadd.s32 $0x280, s20;
	(ifvalue) =	ssetifvalue $0x7FFFFFFF  }
0x47: {  	[tilespmem:s26], [sflag:$0x1] =	stream.indirect_vreg.gather [hbm4b:s2+s13], $0x1, v1, vm0, $0x4038;
	[tilespmem:$0x8400] =	vst v63  }
0x48: {  	(ifvalue) =	ssetifvalue $0x7FFFFFFF;
	v1 =	vor.u32 $0x380, v0  }
0x49: {  	s18 =	sor.u32 s18, s18;
	s28 =	sadd.s32 $0x300, s20;
	(ifvalue) =	ssetifvalue $0x7FFFFFFF  }
0x4a: {  	[tilespmem:s28], [sflag:$0x1] =	stream.indirect_vreg.gather [hbm4b:s2+s13], $0x1, v2, vm0, $0x4038;
	[tilespmem:$0x8400] =	vst v63  }
0x4b: {  	s18 =	sor.u32 $0x380, s18;
	(ifvalue) =	ssetifvalue $0x7FFFFFFF;
	v2 =	vadd.s32 $0x7A1400, v0  }
0x4c: {  	s18 =	sadd.s32 s18, s17;
	(ifvalue) =	ssetifvalue $0x7FFFFFFF  }
0x4d: {  	[tilespmem:s18], [sflag:$0x1] =	stream.indirect_vreg.gather [hbm4b:s2+s13], $0x1, v1, vm0, $0x4038;
	[tilespmem:$0x8400] =	vst v63  }
0x4e: {  	(ifvalue) =	ssetifvalue $0x7FFFFFFF;
	v1 =	vadd.s32 $0x7A1480, v0  }
0x4f: {  	s29 =	sadd.s32 $0x1000, s20;
	(ifvalue) =	ssetifvalue $0x7FFFFFFF  }
0x50: {  	[tilespmem:s29], [sflag:$0x1] =	stream.indirect_vreg.gather [hbm4b:s2+s13], $0x1, v2, vm0, $0x4038;
	[tilespmem:$0x8400] =	vst v63  }
0x51: {  	(ifvalue) =	ssetifvalue $0x7FFFFFFF;
	v2 =	vadd.s32 $0x7A1500, v0  }
0x52: {  	s30 =	sadd.s32 $0x1080, s20;
	(ifvalue) =	ssetifvalue $0x7FFFFFFF  }
0x53: {  	[tilespmem:s30], [sflag:$0x1] =	stream.indirect_vreg.gather [hbm4b:s2+s13], $0x1, v1, vm0, $0x4038;
	[tilespmem:$0x8400] =	vst v63  }
0x54: {  	(ifvalue) =	ssetifvalue $0x7FFFFFFF;
	v1 =	vadd.s32 $0x7A1580, v0  }
0x55: {  	s31 =	sadd.s32 $0x1100, s20;
	(ifvalue) =	ssetifvalue $0x7FFFFFFF  }
0x56: {  	[tilespmem:s31], [sflag:$0x1] =	stream.indirect_vreg.gather [hbm4b:s2+s13], $0x1, v2, vm0, $0x4038;
	[tilespmem:$0x8400] =	vst v63  }
0x57: {  	(ifvalue) =	ssetifvalue $0x7FFFFFFF;
	v2 =	vadd.s32 $0x7A1600, v0  }
0x58: {  	s21 =	sadd.s32 $0x1180, s20;
	(ifvalue) =	ssetifvalue $0x7FFFFFFF  }
0x59: {  	[tilespmem:s21], [sflag:$0x1] =	stream.indirect_vreg.gather [hbm4b:s2+s13], $0x1, v1, vm0, $0x4038;
	[tilespmem:$0x8400] =	vst v63  }
0x5a: {  	(ifvalue) =	ssetifvalue $0x7FFFFFFF;
	v1 =	vadd.s32 $0x7A1680, v0  }
0x5b: {  	s22 =	sadd.s32 $0x1200, s20;
	(ifvalue) =	ssetifvalue $0x7FFFFFFF  }
0x5c: {  	[tilespmem:s22], [sflag:$0x1] =	stream.indirect_vreg.gather [hbm4b:s2+s13], $0x1, v2, vm0, $0x4038;
	[tilespmem:$0x8400] =	vst v63  }
0x5d: {  	(ifvalue) =	ssetifvalue $0x7FFFFFFF;
	v2 =	vadd.s32 $0x7A1700, v0  }
0x5e: {  	s23 =	sadd.s32 $0x1280, s20;
	(ifvalue) =	ssetifvalue $0x7FFFFFFF  }
0x5f: {  	[tilespmem:s23], [sflag:$0x1] =	stream.indirect_vreg.gather [hbm4b:s2+s13], $0x1, v1, vm0, $0x4038;
	[tilespmem:$0x8400] =	vst v63  }
0x60: {  	(ifvalue) =	ssetifvalue $0x7FFFFFFF;
	v1 =	vadd.s32 $0x7A1780, v0  }
0x61: {  	s24 =	sadd.s32 $0x1300, s20;
	(ifvalue) =	ssetifvalue $0x7FFFFFFF  }
0x62: {  	[tilespmem:s24], [sflag:$0x1] =	stream.indirect_vreg.gather [hbm4b:s2+s13], $0x1, v2, vm0, $0x4038;
	[tilespmem:$0x8400] =	vst v63  }
0x63: {  	(ifvalue) =	ssetifvalue $0x7FFFFFFF;
	v2 =	vadd.s32 $0xF42800, v0  }
0x64: {  	s25 =	sadd.s32 $0x1380, s20;
	(ifvalue) =	ssetifvalue $0x7FFFFFFF  }
0x65: {  	[tilespmem:s25], [sflag:$0x1] =	stream.indirect_vreg.gather [hbm4b:s2+s13], $0x1, v1, vm0, $0x4038;
	[tilespmem:$0x8400] =	vst v63  }
0x66: {  	(ifvalue) =	ssetifvalue $0x7FFFFFFF;
	v1 =	vadd.s32 $0xF42880, v0  }
0x67: {  	s26 =	sadd.s32 $0x2000, s20;
	(ifvalue) =	ssetifvalue $0x7FFFFFFF  }
0x68: {  	[tilespmem:s26], [sflag:$0x1] =	stream.indirect_vreg.gather [hbm4b:s2+s13], $0x1, v2, vm0, $0x4038;
	[tilespmem:$0x8400] =	vst v63  }
0x69: {  	(ifvalue) =	ssetifvalue $0x7FFFFFFF;
	v2 =	vadd.s32 $0xF42900, v0  }
0x6a: {  	s28 =	sadd.s32 $0x2080, s20;
	(ifvalue) =	ssetifvalue $0x7FFFFFFF  }
0x6b: {  	[tilespmem:s28], [sflag:$0x1] =	stream.indirect_vreg.gather [hbm4b:s2+s13], $0x1, v1, vm0, $0x4038;
	[tilespmem:$0x8400] =	vst v63  }
0x6c: {  	(ifvalue) =	ssetifvalue $0x7FFFFFFF;
	v1 =	vadd.s32 $0xF42980, v0  }
0x6d: {  	s29 =	sadd.s32 $0x2100, s20;
	(ifvalue) =	ssetifvalue $0x7FFFFFFF  }
0x6e: {  	[tilespmem:s29], [sflag:$0x1] =	stream.indirect_vreg.gather [hbm4b:s2+s13], $0x1, v2, vm0, $0x4038;
	[tilespmem:$0x8400] =	vst v63  }
0x6f: {  	(ifvalue) =	ssetifvalue $0x7FFFFFFF;
	v2 =	vadd.s32 $0xF42A00, v0  }
0x70: {  	s30 =	sadd.s32 $0x2180, s20;
	(ifvalue) =	ssetifvalue $0x7FFFFFFF  }
0x71: {  	[tilespmem:s30], [sflag:$0x1] =	stream.indirect_vreg.gather [hbm4b:s2+s13], $0x1, v1, vm0, $0x4038;
	[tilespmem:$0x8400] =	vst v63  }
0x72: {  	(ifvalue) =	ssetifvalue $0x7FFFFFFF;
	v1 =	vadd.s32 $0xF42A80, v0  }
0x73: {  	s31 =	sadd.s32 $0x2200, s20;
	(ifvalue) =	ssetifvalue $0x7FFFFFFF  }
0x74: {  	[tilespmem:s31], [sflag:$0x1] =	stream.indirect_vreg.gather [hbm4b:s2+s13], $0x1, v2, vm0, $0x4038;
	[tilespmem:$0x8400] =	vst v63  }
0x75: {  	(ifvalue) =	ssetifvalue $0x7FFFFFFF;
	v2 =	vadd.s32 $0xF42B00, v0  }
0x76: {  	s21 =	sadd.s32 $0x2280, s20;
	(ifvalue) =	ssetifvalue $0x7FFFFFFF  }
0x77: {  	[tilespmem:s21], [sflag:$0x1] =	stream.indirect_vreg.gather [hbm4b:s2+s13], $0x1, v1, vm0, $0x4038;
	[tilespmem:$0x8400] =	vst v63  }
0x78: {  	(ifvalue) =	ssetifvalue $0x7FFFFFFF;
	v1 =	vadd.s32 $0xF42B80, v0  }
0x79: {  	s22 =	sadd.s32 $0x2300, s20;
	(ifvalue) =	ssetifvalue $0x7FFFFFFF  }
0x7a: {  	[tilespmem:s22], [sflag:$0x1] =	stream.indirect_vreg.gather [hbm4b:s2+s13], $0x1, v2, vm0, $0x4038;
	[tilespmem:$0x8400] =	vst v63  }
0x7b: {  	(ifvalue) =	ssetifvalue $0x7FFFFFFF;
	v2 =	vadd.s32 $0x16E3C00, v0  }
0x7c: {  	s23 =	sadd.s32 $0x2380, s20;
	(ifvalue) =	ssetifvalue $0x7FFFFFFF  }
0x7d: {  	[tilespmem:s23], [sflag:$0x1] =	stream.indirect_vreg.gather [hbm4b:s2+s13], $0x1, v1, vm0, $0x4038;
	[tilespmem:$0x8400] =	vst v63  }
0x7e: {  	(ifvalue) =	ssetifvalue $0x7FFFFFFF;
	v1 =	vadd.s32 $0x16E3C80, v0  }
0x7f: {  	s24 =	sadd.s32 $0x3000, s20;
	(ifvalue) =	ssetifvalue $0x7FFFFFFF  }
0x80: {  	[tilespmem:s24], [sflag:$0x1] =	stream.indirect_vreg.gather [hbm4b:s2+s13], $0x1, v2, vm0, $0x4038;
	[tilespmem:$0x8400] =	vst v63  }
0x81: {  	(ifvalue) =	ssetifvalue $0x7FFFFFFF;
	v2 =	vadd.s32 $0x16E3D00, v0  }
0x82: {  	s25 =	sadd.s32 $0x3080, s20;
	(ifvalue) =	ssetifvalue $0x7FFFFFFF  }
0x83: {  	[tilespmem:s25], [sflag:$0x1] =	stream.indirect_vreg.gather [hbm4b:s2+s13], $0x1, v1, vm0, $0x4038;
	[tilespmem:$0x8400] =	vst v63  }
0x84: {  	(ifvalue) =	ssetifvalue $0x7FFFFFFF;
	v1 =	vadd.s32 $0x16E3D80, v0  }
0x85: {  	s26 =	sadd.s32 $0x3100, s20;
	(ifvalue) =	ssetifvalue $0x7FFFFFFF  }
0x86: {  	[tilespmem:s26], [sflag:$0x1] =	stream.indirect_vreg.gather [hbm4b:s2+s13], $0x1, v2, vm0, $0x4038;
	[tilespmem:$0x8400] =	vst v63  }
0x87: {  	(ifvalue) =	ssetifvalue $0x7FFFFFFF;
	v2 =	vadd.s32 $0x16E3E00, v0  }
0x88: {  	s28 =	sadd.s32 $0x3180, s20;
	(ifvalue) =	ssetifvalue $0x7FFFFFFF  }
0x89: {  	[tilespmem:s28], [sflag:$0x1] =	stream.indirect_vreg.gather [hbm4b:s2+s13], $0x1, v1, vm0, $0x4038;
	[tilespmem:$0x8400] =	vst v63  }
0x8a: {  	(ifvalue) =	ssetifvalue $0x7FFFFFFF;
	v1 =	vadd.s32 $0x16E3E80, v0  }
0x8b: {  	s29 =	sadd.s32 $0x3200, s20;
	(ifvalue) =	ssetifvalue $0x7FFFFFFF  }
0x8c: {  	[tilespmem:s29], [sflag:$0x1] =	stream.indirect_vreg.gather [hbm4b:s2+s13], $0x1, v2, vm0, $0x4038;
	[tilespmem:$0x8400] =	vst v63  }
0x8d: {  	(ifvalue) =	ssetifvalue $0x7FFFFFFF;
	v2 =	vadd.s32 $0x16E3F00, v0  }
0x8e: {  	s30 =	sadd.s32 $0x3280, s20;
	(ifvalue) =	ssetifvalue $0x7FFFFFFF  }
0x8f: {  	[tilespmem:s30], [sflag:$0x1] =	stream.indirect_vreg.gather [hbm4b:s2+s13], $0x1, v1, vm0, $0x4038;
	[tilespmem:$0x8400] =	vst v63  }
0x90: {  	v0 =	vadd.s32 $0x16E3F80, v0;
	(ifvalue) =	ssetifvalue $0x7FFFFFFF  }
0x91: {  	s31 =	sadd.s32 $0x3300, s20;
	(ifvalue) =	ssetifvalue $0x7FFFFFFF  }
0x92: {  	[tilespmem:s31], [sflag:$0x1] =	stream.indirect_vreg.gather [hbm4b:s2+s13], $0x1, v2, vm0, $0x4038;
	[tilespmem:$0x8400] =	vst v63  }
0x93: {  	s19 =	sadd.s32 $0x10, s19;
	s18 =	simm.s32 $0x10;
	(ifvalue) =	ssetifvalue $0x7FFFFFFF  }
0x94: {  	s21 =	sadd.s32 $0x3380, s20;
	s20 =	simm.s32 $0x80;
	(ifvalue) =	ssetifvalue $0x7FFFFFFF  }
.LBB2_3:
0x95: {  	[tilespmem:s21], [sflag:$0x1] =	stream.indirect_vreg.gather [hbm4b:s2+s13], $0x1, v0, vm0, $0x4038;
	[tilespmem:$0x8400] =	vst v63  }
0x96: {  	p1 =	sne.s32 s18, $0x1F0;
	s22 =	smov.u32 s18;
	s18 =	sadd.s32 $0x10, s18;
	v0 =	vld.msk [tilespmem:s19+$0x0 ss:$0x1], $0xffff  }
0x97: {  	(ifvalue) =	ssetifvalue $0x7FFFFFFF;
	_ =	sdelay $0x4  }
0x98: {  	vm1 =	vgt.s32 v0, $0x0  }
0x99: {  	v0 =	vnsel vm1, $0x0, v0  }
0x9a: {  	v0 =	vmin.u32 v0, $0xF423F  }
0x9b: {  	v1 =	vshll.u32 v0, $0x3  }
0x9c: {  	v0 =	vand.u32 $0x7F, v0;
	v1 =	vand.u32 $0x7FFC00, v1  }
0x9d: {  	v0 =	vor.u32 v0, v1;
	_ =	sdelay $0x1  }
0x9e: {  	s21 =	sand.u32 $0xC00, s20  }
0x9f: {  	s23 =	sand.u32 $0x70, s22;
	s21 =	sadd.s32 s21, s17;
	v1 =	vor.u32 $0x80, v0  }
0xa0: {  	s21 =	sadd.s32 s23, s21;
	(ifvalue) =	ssetifvalue $0x7FFFFFFF  }
0xa1: {  	[tilespmem:s21], [sflag:$0x1] =	stream.indirect_vreg.gather [hbm4b:s2+s13], $0x1, v0, vm0, $0x4038;
	[tilespmem:$0x8400] =	vst v63  }
0xa2: {  	v2 =	vor.u32 $0x100, v0;
	(ifvalue) =	ssetifvalue $0x7FFFFFFF  }
0xa3: {  	s23 =	sadd.s32 $0x80, s21;
	(ifvalue) =	ssetifvalue $0x7FFFFFFF  }
0xa4: {  	[tilespmem:s23], [sflag:$0x1] =	stream.indirect_vreg.gather [hbm4b:s2+s13], $0x1, v1, vm0, $0x4038;
	[tilespmem:$0x8400] =	vst v63  }
0xa5: {  	v1 =	vor.u32 $0x180, v0;
	(ifvalue) =	ssetifvalue $0x7FFFFFFF  }
0xa6: {  	s23 =	sadd.s32 $0x100, s21;
	(ifvalue) =	ssetifvalue $0x7FFFFFFF  }
0xa7: {  	[tilespmem:s23], [sflag:$0x1] =	stream.indirect_vreg.gather [hbm4b:s2+s13], $0x1, v2, vm0, $0x4038;
	[tilespmem:$0x8400] =	vst v63  }
0xa8: {  	v2 =	vor.u32 $0x200, v0;
	(ifvalue) =	ssetifvalue $0x7FFFFFFF  }
0xa9: {  	s23 =	sadd.s32 $0x180, s21;
	(ifvalue) =	ssetifvalue $0x7FFFFFFF  }
0xaa: {  	[tilespmem:s23], [sflag:$0x1] =	stream.indirect_vreg.gather [hbm4b:s2+s13], $0x1, v1, vm0, $0x4038;
	[tilespmem:$0x8400] =	vst v63  }
0xab: {  	v1 =	vor.u32 $0x280, v0;
	(ifvalue) =	ssetifvalue $0x7FFFFFFF  }
0xac: {  	s23 =	sadd.s32 $0x200, s21;
	(ifvalue) =	ssetifvalue $0x7FFFFFFF  }
0xad: {  	[tilespmem:s23], [sflag:$0x1] =	stream.indirect_vreg.gather [hbm4b:s2+s13], $0x1, v2, vm0, $0x4038;
	[tilespmem:$0x8400] =	vst v63  }
0xae: {  	v2 =	vor.u32 $0x300, v0;
	(ifvalue) =	ssetifvalue $0x7FFFFFFF  }
0xaf: {  	s23 =	sadd.s32 $0x280, s21;
	(ifvalue) =	ssetifvalue $0x7FFFFFFF  }
0xb0: {  	[tilespmem:s23], [sflag:$0x1] =	stream.indirect_vreg.gather [hbm4b:s2+s13], $0x1, v1, vm0, $0x4038;
	[tilespmem:$0x8400] =	vst v63  }
0xb1: {  	v1 =	vor.u32 $0x380, v0;
	(ifvalue) =	ssetifvalue $0x7FFFFFFF  }
0xb2: {  	s22 =	sor.u32 s20, s22;
	s23 =	sadd.s32 $0x300, s21;
	(ifvalue) =	ssetifvalue $0x7FFFFFFF  }
0xb3: {  	[tilespmem:s23], [sflag:$0x1] =	stream.indirect_vreg.gather [hbm4b:s2+s13], $0x1, v2, vm0, $0x4038;
	[tilespmem:$0x8400] =	vst v63  }
0xb4: {  	s22 =	sor.u32 $0x380, s22;
	v2 =	vadd.s32 $0x7A1400, v0;
	(ifvalue) =	ssetifvalue $0x7FFFFFFF  }
0xb5: {  	s22 =	sadd.s32 s22, s17;
	(ifvalue) =	ssetifvalue $0x7FFFFFFF  }
0xb6: {  	[tilespmem:s22], [sflag:$0x1] =	stream.indirect_vreg.gather [hbm4b:s2+s13], $0x1, v1, vm0, $0x4038;
	[tilespmem:$0x8400] =	vst v63  }
0xb7: {  	v1 =	vadd.s32 $0x7A1480, v0;
	(ifvalue) =	ssetifvalue $0x7FFFFFFF  }
0xb8: {  	s22 =	sadd.s32 $0x1000, s21;
	(ifvalue) =	ssetifvalue $0x7FFFFFFF  }
0xb9: {  	[tilespmem:s22], [sflag:$0x1] =	stream.indirect_vreg.gather [hbm4b:s2+s13], $0x1, v2, vm0, $0x4038;
	[tilespmem:$0x8400] =	vst v63  }
0xba: {  	v2 =	vadd.s32 $0x7A1500, v0;
	(ifvalue) =	ssetifvalue $0x7FFFFFFF  }
0xbb: {  	s22 =	sadd.s32 $0x1080, s21;
	(ifvalue) =	ssetifvalue $0x7FFFFFFF  }
0xbc: {  	[tilespmem:s22], [sflag:$0x1] =	stream.indirect_vreg.gather [hbm4b:s2+s13], $0x1, v1, vm0, $0x4038;
	[tilespmem:$0x8400] =	vst v63  }
0xbd: {  	v1 =	vadd.s32 $0x7A1580, v0;
	(ifvalue) =	ssetifvalue $0x7FFFFFFF  }
0xbe: {  	s22 =	sadd.s32 $0x1100, s21;
	(ifvalue) =	ssetifvalue $0x7FFFFFFF  }
0xbf: {  	[tilespmem:s22], [sflag:$0x1] =	stream.indirect_vreg.gather [hbm4b:s2+s13], $0x1, v2, vm0, $0x4038;
	[tilespmem:$0x8400] =	vst v63  }
0xc0: {  	v2 =	vadd.s32 $0x7A1600, v0;
	(ifvalue) =	ssetifvalue $0x7FFFFFFF  }
0xc1: {  	s22 =	sadd.s32 $0x1180, s21;
	(ifvalue) =	ssetifvalue $0x7FFFFFFF  }
0xc2: {  	[tilespmem:s22], [sflag:$0x1] =	stream.indirect_vreg.gather [hbm4b:s2+s13], $0x1, v1, vm0, $0x4038;
	[tilespmem:$0x8400] =	vst v63  }
0xc3: {  	v1 =	vadd.s32 $0x7A1680, v0;
	(ifvalue) =	ssetifvalue $0x7FFFFFFF  }
0xc4: {  	s22 =	sadd.s32 $0x1200, s21;
	(ifvalue) =	ssetifvalue $0x7FFFFFFF  }
0xc5: {  	[tilespmem:s22], [sflag:$0x1] =	stream.indirect_vreg.gather [hbm4b:s2+s13], $0x1, v2, vm0, $0x4038;
	[tilespmem:$0x8400] =	vst v63  }
0xc6: {  	v2 =	vadd.s32 $0x7A1700, v0;
	(ifvalue) =	ssetifvalue $0x7FFFFFFF  }
0xc7: {  	s22 =	sadd.s32 $0x1280, s21;
	(ifvalue) =	ssetifvalue $0x7FFFFFFF  }
0xc8: {  	[tilespmem:s22], [sflag:$0x1] =	stream.indirect_vreg.gather [hbm4b:s2+s13], $0x1, v1, vm0, $0x4038;
	[tilespmem:$0x8400] =	vst v63  }
0xc9: {  	v1 =	vadd.s32 $0x7A1780, v0;
	(ifvalue) =	ssetifvalue $0x7FFFFFFF  }
0xca: {  	s22 =	sadd.s32 $0x1300, s21;
	(ifvalue) =	ssetifvalue $0x7FFFFFFF  }
0xcb: {  	[tilespmem:s22], [sflag:$0x1] =	stream.indirect_vreg.gather [hbm4b:s2+s13], $0x1, v2, vm0, $0x4038;
	[tilespmem:$0x8400] =	vst v63  }
0xcc: {  	v2 =	vadd.s32 $0xF42800, v0;
	(ifvalue) =	ssetifvalue $0x7FFFFFFF  }
0xcd: {  	s22 =	sadd.s32 $0x1380, s21;
	(ifvalue) =	ssetifvalue $0x7FFFFFFF  }
0xce: {  	[tilespmem:s22], [sflag:$0x1] =	stream.indirect_vreg.gather [hbm4b:s2+s13], $0x1, v1, vm0, $0x4038;
	[tilespmem:$0x8400] =	vst v63  }
0xcf: {  	v1 =	vadd.s32 $0xF42880, v0;
	(ifvalue) =	ssetifvalue $0x7FFFFFFF  }
0xd0: {  	s22 =	sadd.s32 $0x2000, s21;
	(ifvalue) =	ssetifvalue $0x7FFFFFFF  }
0xd1: {  	[tilespmem:s22], [sflag:$0x1] =	stream.indirect_vreg.gather [hbm4b:s2+s13], $0x1, v2, vm0, $0x4038;
	[tilespmem:$0x8400] =	vst v63  }
0xd2: {  	v2 =	vadd.s32 $0xF42900, v0;
	(ifvalue) =	ssetifvalue $0x7FFFFFFF  }
0xd3: {  	s22 =	sadd.s32 $0x2080, s21;
	(ifvalue) =	ssetifvalue $0x7FFFFFFF  }
0xd4: {  	[tilespmem:s22], [sflag:$0x1] =	stream.indirect_vreg.gather [hbm4b:s2+s13], $0x1, v1, vm0, $0x4038;
	[tilespmem:$0x8400] =	vst v63  }
0xd5: {  	v1 =	vadd.s32 $0xF42980, v0;
	(ifvalue) =	ssetifvalue $0x7FFFFFFF  }
0xd6: {  	s22 =	sadd.s32 $0x2100, s21;
	(ifvalue) =	ssetifvalue $0x7FFFFFFF  }
0xd7: {  	[tilespmem:s22], [sflag:$0x1] =	stream.indirect_vreg.gather [hbm4b:s2+s13], $0x1, v2, vm0, $0x4038;
	[tilespmem:$0x8400] =	vst v63  }
0xd8: {  	v2 =	vadd.s32 $0xF42A00, v0;
	(ifvalue) =	ssetifvalue $0x7FFFFFFF  }
0xd9: {  	s22 =	sadd.s32 $0x2180, s21;
	(ifvalue) =	ssetifvalue $0x7FFFFFFF  }
0xda: {  	[tilespmem:s22], [sflag:$0x1] =	stream.indirect_vreg.gather [hbm4b:s2+s13], $0x1, v1, vm0, $0x4038;
	[tilespmem:$0x8400] =	vst v63  }
0xdb: {  	v1 =	vadd.s32 $0xF42A80, v0;
	(ifvalue) =	ssetifvalue $0x7FFFFFFF  }
0xdc: {  	s22 =	sadd.s32 $0x2200, s21;
	(ifvalue) =	ssetifvalue $0x7FFFFFFF  }
0xdd: {  	[tilespmem:s22], [sflag:$0x1] =	stream.indirect_vreg.gather [hbm4b:s2+s13], $0x1, v2, vm0, $0x4038;
	[tilespmem:$0x8400] =	vst v63  }
0xde: {  	v2 =	vadd.s32 $0xF42B00, v0;
	(ifvalue) =	ssetifvalue $0x7FFFFFFF  }
0xdf: {  	s22 =	sadd.s32 $0x2280, s21;
	(ifvalue) =	ssetifvalue $0x7FFFFFFF  }
0xe0: {  	[tilespmem:s22], [sflag:$0x1] =	stream.indirect_vreg.gather [hbm4b:s2+s13], $0x1, v1, vm0, $0x4038;
	[tilespmem:$0x8400] =	vst v63  }
0xe1: {  	v1 =	vadd.s32 $0xF42B80, v0;
	(ifvalue) =	ssetifvalue $0x7FFFFFFF  }
0xe2: {  	s22 =	sadd.s32 $0x2300, s21;
	(ifvalue) =	ssetifvalue $0x7FFFFFFF  }
0xe3: {  	[tilespmem:s22], [sflag:$0x1] =	stream.indirect_vreg.gather [hbm4b:s2+s13], $0x1, v2, vm0, $0x4038;
	[tilespmem:$0x8400] =	vst v63  }
0xe4: {  	v2 =	vadd.s32 $0x16E3C00, v0;
	(ifvalue) =	ssetifvalue $0x7FFFFFFF  }
0xe5: {  	s22 =	sadd.s32 $0x2380, s21;
	(ifvalue) =	ssetifvalue $0x7FFFFFFF  }
0xe6: {  	[tilespmem:s22], [sflag:$0x1] =	stream.indirect_vreg.gather [hbm4b:s2+s13], $0x1, v1, vm0, $0x4038;
	[tilespmem:$0x8400] =	vst v63  }
0xe7: {  	v1 =	vadd.s32 $0x16E3C80, v0;
	(ifvalue) =	ssetifvalue $0x7FFFFFFF  }
0xe8: {  	s22 =	sadd.s32 $0x3000, s21;
	(ifvalue) =	ssetifvalue $0x7FFFFFFF  }
0xe9: {  	[tilespmem:s22], [sflag:$0x1] =	stream.indirect_vreg.gather [hbm4b:s2+s13], $0x1, v2, vm0, $0x4038;
	[tilespmem:$0x8400] =	vst v63  }
0xea: {  	v2 =	vadd.s32 $0x16E3D00, v0;
	(ifvalue) =	ssetifvalue $0x7FFFFFFF  }
0xeb: {  	s22 =	sadd.s32 $0x3080, s21;
	(ifvalue) =	ssetifvalue $0x7FFFFFFF  }
0xec: {  	[tilespmem:s22], [sflag:$0x1] =	stream.indirect_vreg.gather [hbm4b:s2+s13], $0x1, v1, vm0, $0x4038;
	[tilespmem:$0x8400] =	vst v63  }
0xed: {  	v1 =	vadd.s32 $0x16E3D80, v0;
	(ifvalue) =	ssetifvalue $0x7FFFFFFF  }
0xee: {  	s22 =	sadd.s32 $0x3100, s21;
	(ifvalue) =	ssetifvalue $0x7FFFFFFF  }
0xef: {  	[tilespmem:s22], [sflag:$0x1] =	stream.indirect_vreg.gather [hbm4b:s2+s13], $0x1, v2, vm0, $0x4038;
	[tilespmem:$0x8400] =	vst v63  }
0xf0: {  	v2 =	vadd.s32 $0x16E3E00, v0;
	(ifvalue) =	ssetifvalue $0x7FFFFFFF  }
0xf1: {  	s22 =	sadd.s32 $0x3180, s21;
	(ifvalue) =	ssetifvalue $0x7FFFFFFF  }
0xf2: {  	[tilespmem:s22], [sflag:$0x1] =	stream.indirect_vreg.gather [hbm4b:s2+s13], $0x1, v1, vm0, $0x4038;
	[tilespmem:$0x8400] =	vst v63  }
0xf3: {  	v1 =	vadd.s32 $0x16E3E80, v0;
	(ifvalue) =	ssetifvalue $0x7FFFFFFF  }
0xf4: {  	s22 =	sadd.s32 $0x3200, s21;
	(ifvalue) =	ssetifvalue $0x7FFFFFFF  }
0xf5: {  	[tilespmem:s22], [sflag:$0x1] =	stream.indirect_vreg.gather [hbm4b:s2+s13], $0x1, v2, vm0, $0x4038;
	[tilespmem:$0x8400] =	vst v63  }
0xf6: {  	v2 =	vadd.s32 $0x16E3F00, v0;
	(ifvalue) =	ssetifvalue $0x7FFFFFFF  }
0xf7: {  	s22 =	sadd.s32 $0x3280, s21;
	(ifvalue) =	ssetifvalue $0x7FFFFFFF  }
0xf8: {  	[tilespmem:s22], [sflag:$0x1] =	stream.indirect_vreg.gather [hbm4b:s2+s13], $0x1, v1, vm0, $0x4038;
	[tilespmem:$0x8400] =	vst v63  }
.Ltmp3:
0xf9: {  	v0 =	vadd.s32 $0x16E3F80, v0;
	(ifvalue) =	ssetifvalue $0x7FFFFFFF;
	(pc) =	sbr.rel @p1 .LBB2_3-.Ltmp3, $4  }
0xfa: {  	s22 =	sadd.s32 $0x3300, s21;
	(ifvalue) =	ssetifvalue $0x7FFFFFFF  }
0xfb: {  	[tilespmem:s22], [sflag:$0x1] =	stream.indirect_vreg.gather [hbm4b:s2+s13], $0x1, v2, vm0, $0x4038;
	[tilespmem:$0x8400] =	vst v63  }
0xfc: {  	s19 =	sadd.s32 $0x10, s19;
	(ifvalue) =	ssetifvalue $0x7FFFFFFF  }
0xfd: {  	s20 =	sadd.s32 $0x80, s20;
	s21 =	sadd.s32 $0x3380, s21;
	(ifvalue) =	ssetifvalue $0x7FFFFFFF  }
.Ltmp4:
0xfe: {  	_ = 	snop;
	(pc) =	sbr.rel .LBB2_4-.Ltmp4, $1  }
0xff: {  	_ =	sdelay $0x3  }
.LBB2_6:
0x100: {  	_ =	sfence.sel $0x180000  }
0x101: {  	s2 =	simm.s32 $0x2;
	[bflag:$0x0] =	sbarrier.arrive $0xFFFF  }
0x102: {  	s30 =	simm.s32 $0x3;
	[sflag:s2] =	ssyncpa.u1 $0x1  }
0x103: {  	s31 =	simm.s32 $0x1;
	[sflag:s30] =	ssyncpa.u1 $0x1  }
0x104: {  	[sflag:s31] =	ssyncpa.u1 $0x1  }
0x105: {  	p0 =	sne.s32 s1, $0x0;
	_ =	strace $0x90000047  }
0x106: {  	s0 =	sadd.s32 @!p0 $0x100000, s0;
	[bflag:$0x2] =	sbarrier.arrive $0xFFFF  }
0x107: {  	[sflag:s0] =	ssyncadd.tile.s32 @!p0 $0x1;
	_ =	shalt  }
.Lfunc_end2:
_tile_overlayer_lowered:
.L_overlay_start_2:
0x108: {  	(tag) =	ssettag $0x2  }
0x109: {  	s0 =	rddreg [dreg:$0x0];
	s2 =	stileid.u32  }
0x10a: {  	s1 =	rddreg [dreg:$0x1];
	p0 =	sne.s32 s2, $0x0  }
0x10b: {  	s3 =	rddreg [dreg:$0x2];
	[bflag:$0x3] =	sbarrier.arrive $0xFFFF;
	s2 =	simm.s32 @!p0 $0x1C01  }
0x10c: {  	[timem:s3], [sflag:s2] =	dma.local @!p0 [hbm:s0], s1  }
0x10d: {  	s0 =	simm.s32 @!p0 $0x1  }
0x10e: {  	_ =	swait.ge @!p0 [sflag:s0], s1  }
0x10f: {  	s1 =	ssub.s32 @!p0 $0x0, s1;
	[sflag:s0] =	ssyncset.done @!p0 $0x0  }
0x110: {  	[sflag:s0] =	ssyncadd.s32 @!p0 s1  }
0x111: {  	[bflag:$0x3] =	sbarrier.arrive $0xFFFF  }
0x112: {  	_ =	shalt  }

// kernel: gather_offload_async_start.3
scs
__scs_entry_jumppad:
0x0: {  	(pc) =	sbr.rel $0x88, $3  }
0x1: {  	(tag) =	ssettag $0x0;
	lr =	simm.s32 $0x1  }
0x2: {  	[smem:$0x3F91] =	sst lr;
	_ =	strace $0xD0000000  }
0x3: {  	_ = 	snop  }
0x4: {  	_ = 	snop  }
0x5: {  	_ = 	snop  }
0x6: {  	_ = 	snop  }
0x7: {  	_ = 	snop  }
__scs_overlays_trampoline_lowered:
0x8: {  	[smem:$0x3FA0] =	sst s0  }
0x9: {  	[smem:$0x3FA1] =	sst s1  }
0xa: {  	[smem:$0x3FA2] =	sst s2  }
0xb: {  	[smem:$0x3FA3] =	sst s3  }
0xc: {  	[smem:$0x3FA4] =	sst s4  }
0xd: {  	[smem:$0x3FA5] =	sst s5  }
0xe: {  	[smem:$0x3FA6] =	sst s6  }
0xf: {  	[smem:$0x3FA7] =	sst s7  }
0x10: {  	[smem:$0x3FA8] =	sst s8  }
0x11: {  	[smem:$0x3FA9] =	sst s9;
	s0 =	simm.s32 @!p0 $0x0  }
0x12: {  	s1 =	sld [smem:$0x3F8F];
	s0 =	simm.s32 @p0 $0x1  }
0x13: {  	[smem:$0x3FAA] =	sst s0;
	s0 =	simm.s32 @!p1 $0x0  }
0x14: {  	s2 =	sld [smem:$0x3F8E];
	s0 =	simm.s32 @p1 $0x1  }
0x15: {  	[smem:$0x3FAB] =	sst s0;
	s0 =	simm.s32 @!p2 $0x0  }
0x16: {  	s3 =	sld [smem:$0x3FDB];
	s0 =	simm.s32 @p2 $0x1  }
0x17: {  	s4 =	simm.s32 $0x1BF5;
	[smem:$0x3FAD] =	sst s0  }
0x18: {  	s0 =	sld [smem:$0x3F90];
	_ =	swait.ge [sflag:s4], $0x0  }
0x19: {  	s7 =	sld [smem:$0x3F91]  }
0x1a: {  	s8 =	sadd.s32 $0xFFFFE003, lr  }
0x1b: {  	s9 =	sadd.s32 $0xFFFFFEF7, lr;
	s5 =	simm.s32 $0xFFFFFFFF;
	p2 =	slt.u32 s8, $0xFFFFF086  }
0x1c: {  	p1 =	slt.u32 s9, $0xF7A;
	s5 =	simm.s32 @!p2 $0x0  }
0x1d: {  	s5 =	simm.s32 @p1 $0x1;
	p0 =	seq.s32 s7, s2  }
0x1e: {  	s7 =	smul.u32 @!p0 $0xF7A, s2;
	p2 =	seq.s32 @!p0 s5, $0x0  }
0x1f: {  	s9 =	smul.u32 $0xF7A, s1;
	s8 =	simm.s32 @!p0 $0x1BF5;
	p2 =	por !p2, p0  }
0x20: {  	[sflag:s8] =	ssyncset.s32 @!p0 $0xFFFFF086;
	s6 =	sadd.s32 @!p0 s3, s7;
	s7 =	simm.s32 @!p0 $0x108  }
0x21: {  	s3 =	sadd.s32 s3, s9;
	s6 =	sadd.s32 @!p0 $0x88, s6;
	s7 =	simm.s32 @p2 $0x1082  }
0x22: {  	[simem:s7], [sflag:s8] =	dma.local @!p0 [hbm:s6], $0xF7A  }
0x23: {  	s9 =	sor.u32 $0xD0000000, s2;
	s6 =	simm.s32 $0x108;
	_ =	swait.ge @!p0 [sflag:s8], $0x0  }
0x24: {  	s3 =	sadd.s32 $0x88, s3;
	s6 =	simm.s32 @!p1 $0x1082;
	[sflag:s4] =	ssyncset.s32 $0xFFFFF086  }
0x25: {  	[simem:s6], [sflag:s4] =	dma.local [hbm:s3], $0xF7A  }
0x26: {  	[smem:$0x3F91] =	sst s1;
	(tag) =	ssettag s2;
	_ =	strace s9  }
0x27: {  	s1 =	sld [smem:$0x3FA1]  }
0x28: {  	s2 =	sld [smem:$0x3FA2]  }
0x29: {  	s4 =	sld [smem:$0x3FA4]  }
0x2a: {  	p0 =	seq.s32 s5, $0x0;
	s5 =	sld [smem:$0x3FA5]  }
0x2b: {  	s6 =	sld [smem:$0x3FA6]  }
0x2c: {  	s7 =	sld [smem:$0x3FA7]  }
0x2d: {  	s3 =	simm.s32 $0x108;
	s8 =	sld [smem:$0x3FA8]  }
0x2e: {  	s3 =	simm.s32 @!p0 $0x1082;
	s9 =	sld [smem:$0x3FA9]  }
0x2f: {  	lr =	sadd.s32 s0, s3;
	s0 =	sld [smem:$0x3FA0]  }
0x30: {  	s3 =	sld [smem:$0x3FA3]  }
0x31: {  	[smem:$0x3FAC] =	sst s10  }
0x32: {  	s10 =	sld [smem:$0x3FAA];
	_ =	sdelay $0x3  }
0x33: {  	p0 =	seq.s32 s10, $0x1;
	s10 =	sld [smem:$0x3FAC];
	_ =	sdelay $0x3  }
0x34: {  	[smem:$0x3FAC] =	sst s10  }
0x35: {  	s10 =	sld [smem:$0x3FAB];
	_ =	sdelay $0x3  }
0x36: {  	p1 =	seq.s32 s10, $0x1;
	s10 =	sld [smem:$0x3FAC];
	_ =	sdelay $0x3  }
0x37: {  	[smem:$0x3FAC] =	sst s10  }
0x38: {  	s10 =	sld [smem:$0x3FAD]  }
0x39: {  	_ = 	snop;
	(pc) =	sbr.ind lr, $3  }
0x3a: {  	_ = 	snop  }
0x3b: {  	_ = 	snop  }
0x3c: {  	p2 =	seq.s32 s10, $0x1;
	s10 =	sld [smem:$0x3FAC]  }
0x3d: {  	_ =	shalt  }
0x3e: {  	_ =	shalt  }
0x3f: {  	_ =	shalt  }
0x40: {  	_ =	shalt  }
0x41: {  	_ =	shalt  }
0x42: {  	_ =	shalt  }
0x43: {  	_ =	shalt  }
0x44: {  	_ =	shalt  }
0x45: {  	_ =	shalt  }
0x46: {  	_ =	shalt  }
0x47: {  	_ =	shalt  }
0x48: {  	_ =	shalt  }
0x49: {  	_ =	shalt  }
0x4a: {  	_ =	shalt  }
0x4b: {  	_ =	shalt  }
0x4c: {  	_ =	shalt  }
0x4d: {  	_ =	shalt  }
0x4e: {  	_ =	shalt  }
0x4f: {  	_ =	shalt  }
0x50: {  	_ =	shalt  }
0x51: {  	_ =	shalt  }
0x52: {  	_ =	shalt  }
0x53: {  	_ =	shalt  }
0x54: {  	_ =	shalt  }
0x55: {  	_ =	shalt  }
0x56: {  	_ =	shalt  }
0x57: {  	_ =	shalt  }
0x58: {  	_ =	shalt  }
0x59: {  	_ =	shalt  }
0x5a: {  	_ =	shalt  }
0x5b: {  	_ =	shalt  }
0x5c: {  	_ =	shalt  }
0x5d: {  	_ =	shalt  }
0x5e: {  	_ =	shalt  }
0x5f: {  	_ =	shalt  }
0x60: {  	_ =	shalt  }
0x61: {  	_ =	shalt  }
0x62: {  	_ =	shalt  }
0x63: {  	_ =	shalt  }
0x64: {  	_ =	shalt  }
0x65: {  	_ =	shalt  }
0x66: {  	_ =	shalt  }
0x67: {  	_ =	shalt  }
0x68: {  	_ =	shalt  }
0x69: {  	_ =	shalt  }
0x6a: {  	_ =	shalt  }
0x6b: {  	_ =	shalt  }
0x6c: {  	_ =	shalt  }
0x6d: {  	_ =	shalt  }
0x6e: {  	_ =	shalt  }
0x6f: {  	_ =	shalt  }
0x70: {  	_ =	shalt  }
0x71: {  	_ =	shalt  }
0x72: {  	_ =	shalt  }
0x73: {  	_ =	shalt  }
0x74: {  	_ =	shalt  }
0x75: {  	_ =	shalt  }
0x76: {  	_ =	shalt  }
0x77: {  	_ =	shalt  }
0x78: {  	_ =	shalt  }
0x79: {  	_ =	shalt  }
0x7a: {  	_ =	shalt  }
0x7b: {  	_ =	shalt  }
0x7c: {  	_ =	shalt  }
0x7d: {  	_ =	shalt  }
0x7e: {  	_ =	shalt  }
0x7f: {  	_ =	shalt  }
0x80: {  	_ =	shalt  }
0x81: {  	_ =	shalt  }
0x82: {  	_ =	shalt  }
0x83: {  	_ =	shalt  }
0x84: {  	_ =	shalt  }
0x85: {  	_ =	shalt  }
0x86: {  	_ =	shalt  }
0x87: {  	_ =	shalt  }
.Lfunc_end0:
.L_simem_size_0:
called_computation.3_lowered:
.L_overlay_start_0:
0x88: {  	s2 =	sld [smem:$0x3FD9]  }
0x89: {  	s3 =	sld [smem:$0x3FFE];
	_ =	sdelay $0x1  }
0x8a: {  	s1 =	srdreg.scid  }
0x8b: {  	s0 =	sand.u32 $0x1, s1  }
0x8c: {  	s17 =	sshll.u32 s0, $0xA;
	s2 =	sadd.s32 s3, s2  }
0x8d: {  	s2 =	sadd.s32 s2, s17  }
0x8e: {  	[smem:$0x3FB8] =	sst s2  }
0x8f: {  	_ = 	snop  }
0x90: {  	s18 =	sld [smem:$0x3FC6];
	(tm) =	ssettm $0x1  }
0x91: {  	s19 =	sld [smem:$0x3FFB];
	_ =	sdelay $0x3  }
0x92: {  	_ =	strace s19  }
0x93: {  	s2 =	sld [smem:$0x3FFC];
	_ =	sdelay $0x3  }
0x94: {  	_ =	strace s2  }
0x95: {  	s2 =	sld [smem:$0x3FFD];
	_ =	sdelay $0x3  }
0x96: {  	_ =	strace s2  }
0x97: {  	_ =	strace $0x8FFFFFFF  }
0x98: {  	s20 =	sld [smem:$0x3FDB];
	_ =	sdelay $0x1  }
0x99: {  	s4 =	simm.s32 $_scs_section_size  }
0x9a: {  	s5 =	simm.s32 $_size__tile_overlayer_lowered;
	s6 =	simm.s32 $_tile_overlayer_lowered  }
0x9b: {  	s7 =	simm.s32 $0x1BFF;
	s21 =	sshll.u32 s6, $0x1;
	s4 =	sadd.s32 s4, s20  }
0x9c: {  	s22 =	simm.s32 $0x0;
	s5 =	sshll.u32 s5, $0x1;
	s6 =	sadd.s32 s21, s4  }
0x9d: {  	[timem:s22], [sflag:s7] =	dma.local [hbm:s6], s5  }
0x9e: {  	_ =	swait.ge [sflag:s7], s5  }
0x9f: {  	s5 =	ssub.s32 $0x0, s5;
	[sflag:s7] =	ssyncset.done $0x0  }
0xa0: {  	[sflag:s7] =	ssyncadd.s32 s5;
	_ =	sdelay $0x1  }
0xa1: {  	s23 =	simm.s32 $0x1B8B  }
0xa2: {  	_ =	swait.ge [sflag:s23], $0x1  }
0xa3: {  	[sflag:s23] =	ssyncset.done $0x0  }
0xa4: {  	[sflag:s23] =	ssyncadd.s32 $0xFFFFFFFF  }
0xa5: {  	s5 =	sld [smem:$0x0]  }
0xa6: {  	s6 =	sand.u32 $0xFFFFFFFE, s1  }
0xa7: {  	p0 =	sne.s32 s1, s6  }
0xa8: {  	s6 =	sshll.u32 @p0 s6, $0xE  }
0xa9: {  	s6 =	sadd.s32 @p0 $0x11B8D, s6;
	s7 =	sshll.u32 @p0 s5, $0x11  }
0xaa: {  	s6 =	sor.u32 @p0 s7, s6  }
0xab: {  	[sflag:s6] =	ssyncadd.remote.s32 @p0 $0x1;
	_ =	sdelay $0x1  }
0xac: {  	s6 =	simm.s32 @p0 $0x1B8D  }
0xad: {  	_ =	swait.eq @p0 [sflag:s6], $0x1  }
0xae: {  	[sflag:s6] =	ssyncadd.s32 @p0 $0xFFFFFFFF  }
0xaf: {  	s7 =	sshll.u32 @!p0 s1, $0xE  }
0xb0: {  	s7 =	sor.u32 @!p0 $0x4000, s7;
	s6 =	simm.s32 @!p0 $0x1B8D  }
0xb1: {  	s5 =	sshll.u32 @!p0 s5, $0x11;
	s7 =	sadd.s32 @!p0 $0x11B8D, s7;
	_ =	swait.eq @!p0 [sflag:s6], $0x1  }
0xb2: {  	s5 =	sor.u32 @!p0 s5, s7;
	[sflag:s6] =	ssyncadd.s32 @!p0 $0xFFFFFFFF  }
0xb3: {  	s25 =	simm.s32 $0x1B8E;
	s24 =	sld [smem:$0x3FFE];
	[sflag:s5] =	ssyncadd.remote.s32 @!p0 $0x1  }
0xb4: {  	s26 =	simm.s32 $execute0_lowered;
	[smem:$0x3FD2] =	sst s25  }
0xb5: {  	s6 =	sshll.u32 s26, $0x1;
	_ =	strace $0x80000049;
	[dreg:$0x1] =	wrdreg $0xFFFFFFFF  }
0xb6: {  	s28 =	simm.s32 $_size_execute0_lowered;
	s4 =	sadd.s32 s4, s6;
	[dreg:$0x0] =	wrdreg $0x0  }
0xb7: {  	s6 =	sshll.u32 s28, $0x1;
	[dreg:$0x2] =	wrdreg s4  }
0xb8: {  	[dreg:$0x3] =	wrdreg s6  }
0xb9: {  	[dreg:$0x4] =	wrdreg $0xC0  }
0xba: {  	_ =	task [dreg:s22], $0x5FFFF  }
0xbb: {  	[dreg:$0x1] =	wrdreg $0xFFFFFFFF  }
0xbc: {  	[dreg:$0x0] =	wrdreg $0x60  }
0xbd: {  	[dreg:$0x2] =	wrdreg s18  }
0xbe: {  	[dreg:$0x3] =	wrdreg s24  }
0xbf: {  	[dreg:$0x4] =	wrdreg $0xC  }
0xc0: {  	_ =	task.clear_ibuf [dreg:s22], $0x5FFFF;
	_ =	strace $0x90000049  }
0xc1: {  	s29 =	simm.s32 $0xC;
	_ =	strace $0x8000004B  }
0xc2: {  	_ =	swait.ge [sflag:s29], $0x1  }
0xc3: {  	[sflag:s29] =	ssyncadd.s32 $0xFFFFFFFF  }
0xc4: {  	_ =	strace $0x9000004B  }
0xc5: {  	_ =	sfence  }
0xc6: {  	s30 =	sld [smem:$0x0];
	_ =	sdelay $0x2  }
0xc7: {  	s31 =	sshll.u32 s1, $0xD;
	s1 =	sshrl.u32 s1, $0x2  }
0xc8: {  	s4 =	sand.u32 $0x4000, s31;
	s1 =	sadd.s32 s1, s30  }
0xc9: {  	s0 =	sor.u32 s4, s0;
	s1 =	sshll.u32 s1, $0x11  }
0xca: {  	s0 =	sor.u32 s1, s0  }
0xcb: {  	s0 =	sadd.s32 $0x8F2B, s0  }
0xcc: {  	[sflag:s0] =	ssyncadd.remote.s32 $0x1  }
0xcd: {  	_ =	sfence.sel $0xFFFF  }
0xce: {  	[dreg:$0x0] =	wrdreg $0xFFFFFFFF;
	(pc) =	sbr.abs _section_cstart, $3  }
0xcf: {  	[dreg:$0x1] =	wrdreg $0xFFFFFFFF  }
0xd0: {  	_ =	task.clear_ibuf [dreg:s22], $0x2FFFF;
	_ =	strace $0x9FFFFFFF  }
0xd1: {  	(tm) =	ssettm $0x7FFFFFFF  }
tec
execute0_lowered:
.L_overlay_start_1:
0x0: {  	(tag) =	ssettag $0x1  }
0x1: {  	s1 =	srdreg.scid  }
0x2: {  	s2 =	rddreg [dreg:$0x0];
	s0 =	stileid.u32  }
0x3: {  	s11 =	rddreg [dreg:$0x1];
	s5 =	simm.s32 $0x2;
	s1 =	sshll.u32 s1, $0x9  }
0x4: {  	s9 =	simm.s32 $0x3;
	s3 =	sshll.u32 s0, $0xA;
	s4 =	sand.u32 $0x200, s1  }
0x5: {  	s13 =	simm.s32 $0x0;
	s15 =	simm.s32 $0x0;
	s3 =	sor.u32 s3, s4  }
0x6: {  	s14 =	simm.s32 $0x0;
	s1 =	rddreg [dreg:$0x2];
	s4 =	sshrl.u32 s3, $0x3  }
0x7: {  	_ =	strace $0x8000004A;
	s6 =	ssub.s32 $0x4000, s3;
	s8 =	sadd.s32 s4, s11  }
0x8: {  	s4 =	simm.s32 $0x1;
	s7 =	sand.u32 $0x3E00, s6;
	s10 =	sshrl.u32 s6, $0xE  }
.Ltmp0:
0x9: {  	s6 =	sadd.s32 $0x13200, s11;
	[sflag:s4] =	ssyncpa.u1 $0x0;
	(pc) =	sbr.rel .LBB2_1-.Ltmp0, $4  }
0xa: {  	p0 =	sne.s32 s7, $0x0;
	s7 =	simm.s32 $0x1;
	s8 =	sadd.s32 $0x12A00, s8  }
0xb: {  	[sflag:s5] =	ssyncpa.u1 $0x0;
	s7 =	simm.s32 @!p0 $0x0;
	p0 =	por $0x0, $0x0  }
0xc: {  	[sflag:s9] =	ssyncpa.u1 $0x0;
	s7 =	sadd.s32 s7, s10;
	s9 =	sadd.s32 $0x17200, s11  }
0xd: {  	vm0 =	vmmov $0xffff;
	s10 =	sadd.s32 $0x1B200, s11;
	s11 =	sadd.s32 $0x1F200, s11;
	s12 =	sadd.s32 $0x1, s7  }
.LBB2_4:
0xe: {  	_ =	sdelay $0x3  }
0xf: {  	[tilespmem:s21], [sflag:$0x1] =	stream.indirect_vreg.gather [hbm4b:s2+s13], $0x1, v0, vm0, $0x4038;
	[tilespmem:$0x8400] =	vst v63  }
0x10: {  	s18 =	sshll.u32 s15, $0x3  }
0x11: {  	s24 =	sand.u32 $0x78, s15;
	s18 =	sand.u32 $0x7FFFFC00, s18  }
0x12: {  	_ =	swait.ge [sflag:s4], $0x4000;
	s15 =	sor.u32 s24, s18  }
0x13: {  	[sflag:s4] =	ssyncset.done $0x0;
	s15 =	sshrl.u32 s15, $0x3  }
0x14: {  	[sflag:s4] =	ssyncadd.s32 $0xFFFFC000;
	s25 =	sadd.s32 s6, s15  }
0x15: {  	[hbm:s25] =	stream.linear.scatter [tilespmem:s17], [sflag:$0x3], $0x1000, $0x38;
	[tilespmem:$0x8400] =	vst v63  }
0x16: {  	s26 =	sadd.s32 $0x1400, s16;
	s28 =	sadd.s32 s15, s9  }
0x17: {  	[hbm:s28] =	stream.linear.scatter [tilespmem:s26], [sflag:$0x3], $0x1000, $0x38;
	[tilespmem:$0x8400] =	vst v63  }
0x18: {  	s29 =	sadd.s32 $0x2400, s16;
	s30 =	sadd.s32 s15, s10  }
0x19: {  	[hbm:s30] =	stream.linear.scatter [tilespmem:s29], [sflag:$0x3], $0x1000, $0x38;
	[tilespmem:$0x8400] =	vst v63  }
0x1a: {  	s31 =	sadd.s32 $0x3400, s16;
	s15 =	sadd.s32 s15, s11  }
0x1b: {  	[hbm:s15] =	stream.linear.scatter [tilespmem:s31], [sflag:$0x3], $0x1000, $0x38;
	[tilespmem:$0x8400] =	vst v63  }
.LBB2_5:
0x1c: {  	p2 =	sne.s32 s14, s12  }
.Ltmp1:
0x1d: {  	p1 =	slt.u32 s14, $0x2;
	(pc) =	sbr.rel @!p2 .LBB2_6-.Ltmp1, $4  }
0x1e: {  	s15 =	simm.s32 @!p1 $0x3  }
0x1f: {  	_ =	swait.ge @!p1 [sflag:s15], $0x4000  }
0x20: {  	s16 =	sadd.s32 $0x1, s14;
	p0 =	por !p0, !p0;
	[sflag:s15] =	ssyncset.done @!p1 $0x0  }
0x21: {  	s14 =	smov.u32 s16;
	[sflag:s15] =	ssyncadd.s32 @!p1 $0xFFFFC000;
	s15 =	smov.u32 s3  }
.LBB2_1:
0x22: {  	p1 =	sge.u32 s14, s7  }
0x23: {  	s16 =	sxor.u32 @!p1 $0xFFFFFFFF, s14  }
0x24: {  	s16 =	sshll.u32 @!p1 s16, $0x9  }
0x25: {  	s31 =	sadd.s32 $0xFFFFFFFF, s14;
	s17 =	simm.s32 @!p1 $0x0;
	s16 =	sand.u32 @!p1 $0x200, s16  }
0x26: {  	[tilespmem:s16], [sflag:$0x2] =	stream.linear.gather @!p1 [hbm4b:s8+s17], $0x200, $0x38;
	[tilespmem:$0x8400] =	vst v63  }
0x27: {  	p1 =	sge.u32 s31, s7  }
.Ltmp2:
0x28: {  	_ = 	snop;
	(pc) =	sbr.rel @p1 .LBB2_5-.Ltmp2, $1  }
0x29: {  	_ =	sdelay $0x3  }
0x2a: {  	s16 =	simm.s32 $0x1;
	_ =	swait.ge [sflag:s5], $0x200  }
0x2b: {  	s16 =	simm.s32 @!p0 $0x0;
	[sflag:s5] =	ssyncset.done $0x0  }
0x2c: {  	s19 =	sshll.u32 s16, $0x9;
	[sflag:s5] =	ssyncadd.s32 $0xFFFFFE00  }
0x2d: {  	v0 =	vld.msk [tilespmem:s19+$0x0 ss:$0x1], $0xffff;
	_ =	sdelay $0x4  }
0x2e: {  	vm1 =	vgt.s32 v0, $0x0  }
0x2f: {  	v0 =	vnsel vm1, $0x0, v0  }
0x30: {  	v0 =	vmin.u32 v0, $0xF423F  }
0x31: {  	v1 =	vshll.u32 v0, $0x3  }
0x32: {  	v0 =	vand.u32 $0x7F, v0;
	v1 =	vand.u32 $0x7FFC00, v1  }
0x33: {  	s22 =	sshll.u32 s14, $0xE;
	v0 =	vor.u32 v0, v1  }
0x34: {  	s18 =	simm.s32 $0x0;
	s16 =	sand.u32 $0x4000, s22  }
0x35: {  	s20 =	sand.u32 $0xC00, s18;
	s17 =	sor.u32 $0x400, s16  }
0x36: {  	s21 =	sand.u32 $0x70, s18;
	(ifvalue) =	ssetifvalue $0x7FFFFFFF;
	s20 =	sadd.s32 s20, s17;
	v1 =	vor.u32 $0x80, v0  }
0x37: {  	(ifvalue) =	ssetifvalue $0x7FFFFFFF;
	s20 =	sadd.s32 s21, s20  }
0x38: {  	[tilespmem:s20], [sflag:$0x1] =	stream.indirect_vreg.gather [hbm4b:s2+s13], $0x1, v0, vm0, $0x4038;
	[tilespmem:$0x8400] =	vst v63  }
0x39: {  	v2 =	vor.u32 $0x100, v0;
	(ifvalue) =	ssetifvalue $0x7FFFFFFF  }
0x3a: {  	s21 =	sadd.s32 $0x80, s20;
	(ifvalue) =	ssetifvalue $0x7FFFFFFF  }
0x3b: {  	[tilespmem:s21], [sflag:$0x1] =	stream.indirect_vreg.gather [hbm4b:s2+s13], $0x1, v1, vm0, $0x4038;
	[tilespmem:$0x8400] =	vst v63  }
0x3c: {  	v1 =	vor.u32 $0x180, v0;
	(ifvalue) =	ssetifvalue $0x7FFFFFFF  }
0x3d: {  	s23 =	sadd.s32 $0x100, s20;
	(ifvalue) =	ssetifvalue $0x7FFFFFFF  }
0x3e: {  	[tilespmem:s23], [sflag:$0x1] =	stream.indirect_vreg.gather [hbm4b:s2+s13], $0x1, v2, vm0, $0x4038;
	[tilespmem:$0x8400] =	vst v63  }
0x3f: {  	v2 =	vor.u32 $0x200, v0;
	(ifvalue) =	ssetifvalue $0x7FFFFFFF  }
0x40: {  	s24 =	sadd.s32 $0x180, s20;
	(ifvalue) =	ssetifvalue $0x7FFFFFFF  }
0x41: {  	[tilespmem:s24], [sflag:$0x1] =	stream.indirect_vreg.gather [hbm4b:s2+s13], $0x1, v1, vm0, $0x4038;
	[tilespmem:$0x8400] =	vst v63  }
0x42: {  	(ifvalue) =	ssetifvalue $0x7FFFFFFF;
	v1 =	vor.u32 $0x280, v0  }
0x43: {  	s25 =	sadd.s32 $0x200, s20;
	(ifvalue) =	ssetifvalue $0x7FFFFFFF  }
0x44: {  	[tilespmem:s25], [sflag:$0x1] =	stream.indirect_vreg.gather [hbm4b:s2+s13], $0x1, v2, vm0, $0x4038;
	[tilespmem:$0x8400] =	vst v63  }
0x45: {  	(ifvalue) =	ssetifvalue $0x7FFFFFFF;
	v2 =	vor.u32 $0x300, v0  }
0x46: {  	s26 =	sadd.s32 $0x280, s20;
	(ifvalue) =	ssetifvalue $0x7FFFFFFF  }
0x47: {  	[tilespmem:s26], [sflag:$0x1] =	stream.indirect_vreg.gather [hbm4b:s2+s13], $0x1, v1, vm0, $0x4038;
	[tilespmem:$0x8400] =	vst v63  }
0x48: {  	(ifvalue) =	ssetifvalue $0x7FFFFFFF;
	v1 =	vor.u32 $0x380, v0  }
0x49: {  	s18 =	sor.u32 s18, s18;
	s28 =	sadd.s32 $0x300, s20;
	(ifvalue) =	ssetifvalue $0x7FFFFFFF  }
0x4a: {  	[tilespmem:s28], [sflag:$0x1] =	stream.indirect_vreg.gather [hbm4b:s2+s13], $0x1, v2, vm0, $0x4038;
	[tilespmem:$0x8400] =	vst v63  }
0x4b: {  	s18 =	sor.u32 $0x380, s18;
	(ifvalue) =	ssetifvalue $0x7FFFFFFF;
	v2 =	vadd.s32 $0x7A1400, v0  }
0x4c: {  	s18 =	sadd.s32 s18, s17;
	(ifvalue) =	ssetifvalue $0x7FFFFFFF  }
0x4d: {  	[tilespmem:s18], [sflag:$0x1] =	stream.indirect_vreg.gather [hbm4b:s2+s13], $0x1, v1, vm0, $0x4038;
	[tilespmem:$0x8400] =	vst v63  }
0x4e: {  	(ifvalue) =	ssetifvalue $0x7FFFFFFF;
	v1 =	vadd.s32 $0x7A1480, v0  }
0x4f: {  	s29 =	sadd.s32 $0x1000, s20;
	(ifvalue) =	ssetifvalue $0x7FFFFFFF  }
0x50: {  	[tilespmem:s29], [sflag:$0x1] =	stream.indirect_vreg.gather [hbm4b:s2+s13], $0x1, v2, vm0, $0x4038;
	[tilespmem:$0x8400] =	vst v63  }
0x51: {  	(ifvalue) =	ssetifvalue $0x7FFFFFFF;
	v2 =	vadd.s32 $0x7A1500, v0  }
0x52: {  	s30 =	sadd.s32 $0x1080, s20;
	(ifvalue) =	ssetifvalue $0x7FFFFFFF  }
0x53: {  	[tilespmem:s30], [sflag:$0x1] =	stream.indirect_vreg.gather [hbm4b:s2+s13], $0x1, v1, vm0, $0x4038;
	[tilespmem:$0x8400] =	vst v63  }
0x54: {  	(ifvalue) =	ssetifvalue $0x7FFFFFFF;
	v1 =	vadd.s32 $0x7A1580, v0  }
0x55: {  	s31 =	sadd.s32 $0x1100, s20;
	(ifvalue) =	ssetifvalue $0x7FFFFFFF  }
0x56: {  	[tilespmem:s31], [sflag:$0x1] =	stream.indirect_vreg.gather [hbm4b:s2+s13], $0x1, v2, vm0, $0x4038;
	[tilespmem:$0x8400] =	vst v63  }
0x57: {  	(ifvalue) =	ssetifvalue $0x7FFFFFFF;
	v2 =	vadd.s32 $0x7A1600, v0  }
0x58: {  	s21 =	sadd.s32 $0x1180, s20;
	(ifvalue) =	ssetifvalue $0x7FFFFFFF  }
0x59: {  	[tilespmem:s21], [sflag:$0x1] =	stream.indirect_vreg.gather [hbm4b:s2+s13], $0x1, v1, vm0, $0x4038;
	[tilespmem:$0x8400] =	vst v63  }
0x5a: {  	(ifvalue) =	ssetifvalue $0x7FFFFFFF;
	v1 =	vadd.s32 $0x7A1680, v0  }
0x5b: {  	s22 =	sadd.s32 $0x1200, s20;
	(ifvalue) =	ssetifvalue $0x7FFFFFFF  }
0x5c: {  	[tilespmem:s22], [sflag:$0x1] =	stream.indirect_vreg.gather [hbm4b:s2+s13], $0x1, v2, vm0, $0x4038;
	[tilespmem:$0x8400] =	vst v63  }
0x5d: {  	(ifvalue) =	ssetifvalue $0x7FFFFFFF;
	v2 =	vadd.s32 $0x7A1700, v0  }
0x5e: {  	s23 =	sadd.s32 $0x1280, s20;
	(ifvalue) =	ssetifvalue $0x7FFFFFFF  }
0x5f: {  	[tilespmem:s23], [sflag:$0x1] =	stream.indirect_vreg.gather [hbm4b:s2+s13], $0x1, v1, vm0, $0x4038;
	[tilespmem:$0x8400] =	vst v63  }
0x60: {  	(ifvalue) =	ssetifvalue $0x7FFFFFFF;
	v1 =	vadd.s32 $0x7A1780, v0  }
0x61: {  	s24 =	sadd.s32 $0x1300, s20;
	(ifvalue) =	ssetifvalue $0x7FFFFFFF  }
0x62: {  	[tilespmem:s24], [sflag:$0x1] =	stream.indirect_vreg.gather [hbm4b:s2+s13], $0x1, v2, vm0, $0x4038;
	[tilespmem:$0x8400] =	vst v63  }
0x63: {  	(ifvalue) =	ssetifvalue $0x7FFFFFFF;
	v2 =	vadd.s32 $0xF42800, v0  }
0x64: {  	s25 =	sadd.s32 $0x1380, s20;
	(ifvalue) =	ssetifvalue $0x7FFFFFFF  }
0x65: {  	[tilespmem:s25], [sflag:$0x1] =	stream.indirect_vreg.gather [hbm4b:s2+s13], $0x1, v1, vm0, $0x4038;
	[tilespmem:$0x8400] =	vst v63  }
0x66: {  	(ifvalue) =	ssetifvalue $0x7FFFFFFF;
	v1 =	vadd.s32 $0xF42880, v0  }
0x67: {  	s26 =	sadd.s32 $0x2000, s20;
	(ifvalue) =	ssetifvalue $0x7FFFFFFF  }
0x68: {  	[tilespmem:s26], [sflag:$0x1] =	stream.indirect_vreg.gather [hbm4b:s2+s13], $0x1, v2, vm0, $0x4038;
	[tilespmem:$0x8400] =	vst v63  }
0x69: {  	(ifvalue) =	ssetifvalue $0x7FFFFFFF;
	v2 =	vadd.s32 $0xF42900, v0  }
0x6a: {  	s28 =	sadd.s32 $0x2080, s20;
	(ifvalue) =	ssetifvalue $0x7FFFFFFF  }
0x6b: {  	[tilespmem:s28], [sflag:$0x1] =	stream.indirect_vreg.gather [hbm4b:s2+s13], $0x1, v1, vm0, $0x4038;
	[tilespmem:$0x8400] =	vst v63  }
0x6c: {  	(ifvalue) =	ssetifvalue $0x7FFFFFFF;
	v1 =	vadd.s32 $0xF42980, v0  }
0x6d: {  	s29 =	sadd.s32 $0x2100, s20;
	(ifvalue) =	ssetifvalue $0x7FFFFFFF  }
0x6e: {  	[tilespmem:s29], [sflag:$0x1] =	stream.indirect_vreg.gather [hbm4b:s2+s13], $0x1, v2, vm0, $0x4038;
	[tilespmem:$0x8400] =	vst v63  }
0x6f: {  	(ifvalue) =	ssetifvalue $0x7FFFFFFF;
	v2 =	vadd.s32 $0xF42A00, v0  }
0x70: {  	s30 =	sadd.s32 $0x2180, s20;
	(ifvalue) =	ssetifvalue $0x7FFFFFFF  }
0x71: {  	[tilespmem:s30], [sflag:$0x1] =	stream.indirect_vreg.gather [hbm4b:s2+s13], $0x1, v1, vm0, $0x4038;
	[tilespmem:$0x8400] =	vst v63  }
0x72: {  	(ifvalue) =	ssetifvalue $0x7FFFFFFF;
	v1 =	vadd.s32 $0xF42A80, v0  }
0x73: {  	s31 =	sadd.s32 $0x2200, s20;
	(ifvalue) =	ssetifvalue $0x7FFFFFFF  }
0x74: {  	[tilespmem:s31], [sflag:$0x1] =	stream.indirect_vreg.gather [hbm4b:s2+s13], $0x1, v2, vm0, $0x4038;
	[tilespmem:$0x8400] =	vst v63  }
0x75: {  	(ifvalue) =	ssetifvalue $0x7FFFFFFF;
	v2 =	vadd.s32 $0xF42B00, v0  }
0x76: {  	s21 =	sadd.s32 $0x2280, s20;
	(ifvalue) =	ssetifvalue $0x7FFFFFFF  }
0x77: {  	[tilespmem:s21], [sflag:$0x1] =	stream.indirect_vreg.gather [hbm4b:s2+s13], $0x1, v1, vm0, $0x4038;
	[tilespmem:$0x8400] =	vst v63  }
0x78: {  	(ifvalue) =	ssetifvalue $0x7FFFFFFF;
	v1 =	vadd.s32 $0xF42B80, v0  }
0x79: {  	s22 =	sadd.s32 $0x2300, s20;
	(ifvalue) =	ssetifvalue $0x7FFFFFFF  }
0x7a: {  	[tilespmem:s22], [sflag:$0x1] =	stream.indirect_vreg.gather [hbm4b:s2+s13], $0x1, v2, vm0, $0x4038;
	[tilespmem:$0x8400] =	vst v63  }
0x7b: {  	(ifvalue) =	ssetifvalue $0x7FFFFFFF;
	v2 =	vadd.s32 $0x16E3C00, v0  }
0x7c: {  	s23 =	sadd.s32 $0x2380, s20;
	(ifvalue) =	ssetifvalue $0x7FFFFFFF  }
0x7d: {  	[tilespmem:s23], [sflag:$0x1] =	stream.indirect_vreg.gather [hbm4b:s2+s13], $0x1, v1, vm0, $0x4038;
	[tilespmem:$0x8400] =	vst v63  }
0x7e: {  	(ifvalue) =	ssetifvalue $0x7FFFFFFF;
	v1 =	vadd.s32 $0x16E3C80, v0  }
0x7f: {  	s24 =	sadd.s32 $0x3000, s20;
	(ifvalue) =	ssetifvalue $0x7FFFFFFF  }
0x80: {  	[tilespmem:s24], [sflag:$0x1] =	stream.indirect_vreg.gather [hbm4b:s2+s13], $0x1, v2, vm0, $0x4038;
	[tilespmem:$0x8400] =	vst v63  }
0x81: {  	(ifvalue) =	ssetifvalue $0x7FFFFFFF;
	v2 =	vadd.s32 $0x16E3D00, v0  }
0x82: {  	s25 =	sadd.s32 $0x3080, s20;
	(ifvalue) =	ssetifvalue $0x7FFFFFFF  }
0x83: {  	[tilespmem:s25], [sflag:$0x1] =	stream.indirect_vreg.gather [hbm4b:s2+s13], $0x1, v1, vm0, $0x4038;
	[tilespmem:$0x8400] =	vst v63  }
0x84: {  	(ifvalue) =	ssetifvalue $0x7FFFFFFF;
	v1 =	vadd.s32 $0x16E3D80, v0  }
0x85: {  	s26 =	sadd.s32 $0x3100, s20;
	(ifvalue) =	ssetifvalue $0x7FFFFFFF  }
0x86: {  	[tilespmem:s26], [sflag:$0x1] =	stream.indirect_vreg.gather [hbm4b:s2+s13], $0x1, v2, vm0, $0x4038;
	[tilespmem:$0x8400] =	vst v63  }
0x87: {  	(ifvalue) =	ssetifvalue $0x7FFFFFFF;
	v2 =	vadd.s32 $0x16E3E00, v0  }
0x88: {  	s28 =	sadd.s32 $0x3180, s20;
	(ifvalue) =	ssetifvalue $0x7FFFFFFF  }
0x89: {  	[tilespmem:s28], [sflag:$0x1] =	stream.indirect_vreg.gather [hbm4b:s2+s13], $0x1, v1, vm0, $0x4038;
	[tilespmem:$0x8400] =	vst v63  }
0x8a: {  	(ifvalue) =	ssetifvalue $0x7FFFFFFF;
	v1 =	vadd.s32 $0x16E3E80, v0  }
0x8b: {  	s29 =	sadd.s32 $0x3200, s20;
	(ifvalue) =	ssetifvalue $0x7FFFFFFF  }
0x8c: {  	[tilespmem:s29], [sflag:$0x1] =	stream.indirect_vreg.gather [hbm4b:s2+s13], $0x1, v2, vm0, $0x4038;
	[tilespmem:$0x8400] =	vst v63  }
0x8d: {  	(ifvalue) =	ssetifvalue $0x7FFFFFFF;
	v2 =	vadd.s32 $0x16E3F00, v0  }
0x8e: {  	s30 =	sadd.s32 $0x3280, s20;
	(ifvalue) =	ssetifvalue $0x7FFFFFFF  }
0x8f: {  	[tilespmem:s30], [sflag:$0x1] =	stream.indirect_vreg.gather [hbm4b:s2+s13], $0x1, v1, vm0, $0x4038;
	[tilespmem:$0x8400] =	vst v63  }
0x90: {  	v0 =	vadd.s32 $0x16E3F80, v0;
	(ifvalue) =	ssetifvalue $0x7FFFFFFF  }
0x91: {  	s31 =	sadd.s32 $0x3300, s20;
	(ifvalue) =	ssetifvalue $0x7FFFFFFF  }
0x92: {  	[tilespmem:s31], [sflag:$0x1] =	stream.indirect_vreg.gather [hbm4b:s2+s13], $0x1, v2, vm0, $0x4038;
	[tilespmem:$0x8400] =	vst v63  }
0x93: {  	s19 =	sadd.s32 $0x10, s19;
	s18 =	simm.s32 $0x10;
	(ifvalue) =	ssetifvalue $0x7FFFFFFF  }
0x94: {  	s21 =	sadd.s32 $0x3380, s20;
	s20 =	simm.s32 $0x80;
	(ifvalue) =	ssetifvalue $0x7FFFFFFF  }
.LBB2_3:
0x95: {  	[tilespmem:s21], [sflag:$0x1] =	stream.indirect_vreg.gather [hbm4b:s2+s13], $0x1, v0, vm0, $0x4038;
	[tilespmem:$0x8400] =	vst v63  }
0x96: {  	p1 =	sne.s32 s18, $0x1F0;
	s22 =	smov.u32 s18;
	s18 =	sadd.s32 $0x10, s18;
	v0 =	vld.msk [tilespmem:s19+$0x0 ss:$0x1], $0xffff  }
0x97: {  	(ifvalue) =	ssetifvalue $0x7FFFFFFF;
	_ =	sdelay $0x4  }
0x98: {  	vm1 =	vgt.s32 v0, $0x0  }
0x99: {  	v0 =	vnsel vm1, $0x0, v0  }
0x9a: {  	v0 =	vmin.u32 v0, $0xF423F  }
0x9b: {  	v1 =	vshll.u32 v0, $0x3  }
0x9c: {  	v0 =	vand.u32 $0x7F, v0;
	v1 =	vand.u32 $0x7FFC00, v1  }
0x9d: {  	v0 =	vor.u32 v0, v1;
	_ =	sdelay $0x1  }
0x9e: {  	s21 =	sand.u32 $0xC00, s20  }
0x9f: {  	s23 =	sand.u32 $0x70, s22;
	s21 =	sadd.s32 s21, s17;
	v1 =	vor.u32 $0x80, v0  }
0xa0: {  	s21 =	sadd.s32 s23, s21;
	(ifvalue) =	ssetifvalue $0x7FFFFFFF  }
0xa1: {  	[tilespmem:s21], [sflag:$0x1] =	stream.indirect_vreg.gather [hbm4b:s2+s13], $0x1, v0, vm0, $0x4038;
	[tilespmem:$0x8400] =	vst v63  }
0xa2: {  	v2 =	vor.u32 $0x100, v0;
	(ifvalue) =	ssetifvalue $0x7FFFFFFF  }
0xa3: {  	s23 =	sadd.s32 $0x80, s21;
	(ifvalue) =	ssetifvalue $0x7FFFFFFF  }
0xa4: {  	[tilespmem:s23], [sflag:$0x1] =	stream.indirect_vreg.gather [hbm4b:s2+s13], $0x1, v1, vm0, $0x4038;
	[tilespmem:$0x8400] =	vst v63  }
0xa5: {  	v1 =	vor.u32 $0x180, v0;
	(ifvalue) =	ssetifvalue $0x7FFFFFFF  }
0xa6: {  	s23 =	sadd.s32 $0x100, s21;
	(ifvalue) =	ssetifvalue $0x7FFFFFFF  }
0xa7: {  	[tilespmem:s23], [sflag:$0x1] =	stream.indirect_vreg.gather [hbm4b:s2+s13], $0x1, v2, vm0, $0x4038;
	[tilespmem:$0x8400] =	vst v63  }
0xa8: {  	v2 =	vor.u32 $0x200, v0;
	(ifvalue) =	ssetifvalue $0x7FFFFFFF  }
0xa9: {  	s23 =	sadd.s32 $0x180, s21;
	(ifvalue) =	ssetifvalue $0x7FFFFFFF  }
0xaa: {  	[tilespmem:s23], [sflag:$0x1] =	stream.indirect_vreg.gather [hbm4b:s2+s13], $0x1, v1, vm0, $0x4038;
	[tilespmem:$0x8400] =	vst v63  }
0xab: {  	v1 =	vor.u32 $0x280, v0;
	(ifvalue) =	ssetifvalue $0x7FFFFFFF  }
0xac: {  	s23 =	sadd.s32 $0x200, s21;
	(ifvalue) =	ssetifvalue $0x7FFFFFFF  }
0xad: {  	[tilespmem:s23], [sflag:$0x1] =	stream.indirect_vreg.gather [hbm4b:s2+s13], $0x1, v2, vm0, $0x4038;
	[tilespmem:$0x8400] =	vst v63  }
0xae: {  	v2 =	vor.u32 $0x300, v0;
	(ifvalue) =	ssetifvalue $0x7FFFFFFF  }
0xaf: {  	s23 =	sadd.s32 $0x280, s21;
	(ifvalue) =	ssetifvalue $0x7FFFFFFF  }
0xb0: {  	[tilespmem:s23], [sflag:$0x1] =	stream.indirect_vreg.gather [hbm4b:s2+s13], $0x1, v1, vm0, $0x4038;
	[tilespmem:$0x8400] =	vst v63  }
0xb1: {  	v1 =	vor.u32 $0x380, v0;
	(ifvalue) =	ssetifvalue $0x7FFFFFFF  }
0xb2: {  	s22 =	sor.u32 s20, s22;
	s23 =	sadd.s32 $0x300, s21;
	(ifvalue) =	ssetifvalue $0x7FFFFFFF  }
0xb3: {  	[tilespmem:s23], [sflag:$0x1] =	stream.indirect_vreg.gather [hbm4b:s2+s13], $0x1, v2, vm0, $0x4038;
	[tilespmem:$0x8400] =	vst v63  }
0xb4: {  	s22 =	sor.u32 $0x380, s22;
	v2 =	vadd.s32 $0x7A1400, v0;
	(ifvalue) =	ssetifvalue $0x7FFFFFFF  }
0xb5: {  	s22 =	sadd.s32 s22, s17;
	(ifvalue) =	ssetifvalue $0x7FFFFFFF  }
0xb6: {  	[tilespmem:s22], [sflag:$0x1] =	stream.indirect_vreg.gather [hbm4b:s2+s13], $0x1, v1, vm0, $0x4038;
	[tilespmem:$0x8400] =	vst v63  }
0xb7: {  	v1 =	vadd.s32 $0x7A1480, v0;
	(ifvalue) =	ssetifvalue $0x7FFFFFFF  }
0xb8: {  	s22 =	sadd.s32 $0x1000, s21;
	(ifvalue) =	ssetifvalue $0x7FFFFFFF  }
0xb9: {  	[tilespmem:s22], [sflag:$0x1] =	stream.indirect_vreg.gather [hbm4b:s2+s13], $0x1, v2, vm0, $0x4038;
	[tilespmem:$0x8400] =	vst v63  }
0xba: {  	v2 =	vadd.s32 $0x7A1500, v0;
	(ifvalue) =	ssetifvalue $0x7FFFFFFF  }
0xbb: {  	s22 =	sadd.s32 $0x1080, s21;
	(ifvalue) =	ssetifvalue $0x7FFFFFFF  }
0xbc: {  	[tilespmem:s22], [sflag:$0x1] =	stream.indirect_vreg.gather [hbm4b:s2+s13], $0x1, v1, vm0, $0x4038;
	[tilespmem:$0x8400] =	vst v63  }
0xbd: {  	v1 =	vadd.s32 $0x7A1580, v0;
	(ifvalue) =	ssetifvalue $0x7FFFFFFF  }
0xbe: {  	s22 =	sadd.s32 $0x1100, s21;
	(ifvalue) =	ssetifvalue $0x7FFFFFFF  }
0xbf: {  	[tilespmem:s22], [sflag:$0x1] =	stream.indirect_vreg.gather [hbm4b:s2+s13], $0x1, v2, vm0, $0x4038;
	[tilespmem:$0x8400] =	vst v63  }
0xc0: {  	v2 =	vadd.s32 $0x7A1600, v0;
	(ifvalue) =	ssetifvalue $0x7FFFFFFF  }
0xc1: {  	s22 =	sadd.s32 $0x1180, s21;
	(ifvalue) =	ssetifvalue $0x7FFFFFFF  }
0xc2: {  	[tilespmem:s22], [sflag:$0x1] =	stream.indirect_vreg.gather [hbm4b:s2+s13], $0x1, v1, vm0, $0x4038;
	[tilespmem:$0x8400] =	vst v63  }
0xc3: {  	v1 =	vadd.s32 $0x7A1680, v0;
	(ifvalue) =	ssetifvalue $0x7FFFFFFF  }
0xc4: {  	s22 =	sadd.s32 $0x1200, s21;
	(ifvalue) =	ssetifvalue $0x7FFFFFFF  }
0xc5: {  	[tilespmem:s22], [sflag:$0x1] =	stream.indirect_vreg.gather [hbm4b:s2+s13], $0x1, v2, vm0, $0x4038;
	[tilespmem:$0x8400] =	vst v63  }
0xc6: {  	v2 =	vadd.s32 $0x7A1700, v0;
	(ifvalue) =	ssetifvalue $0x7FFFFFFF  }
0xc7: {  	s22 =	sadd.s32 $0x1280, s21;
	(ifvalue) =	ssetifvalue $0x7FFFFFFF  }
0xc8: {  	[tilespmem:s22], [sflag:$0x1] =	stream.indirect_vreg.gather [hbm4b:s2+s13], $0x1, v1, vm0, $0x4038;
	[tilespmem:$0x8400] =	vst v63  }
0xc9: {  	v1 =	vadd.s32 $0x7A1780, v0;
	(ifvalue) =	ssetifvalue $0x7FFFFFFF  }
0xca: {  	s22 =	sadd.s32 $0x1300, s21;
	(ifvalue) =	ssetifvalue $0x7FFFFFFF  }
0xcb: {  	[tilespmem:s22], [sflag:$0x1] =	stream.indirect_vreg.gather [hbm4b:s2+s13], $0x1, v2, vm0, $0x4038;
	[tilespmem:$0x8400] =	vst v63  }
0xcc: {  	v2 =	vadd.s32 $0xF42800, v0;
	(ifvalue) =	ssetifvalue $0x7FFFFFFF  }
0xcd: {  	s22 =	sadd.s32 $0x1380, s21;
	(ifvalue) =	ssetifvalue $0x7FFFFFFF  }
0xce: {  	[tilespmem:s22], [sflag:$0x1] =	stream.indirect_vreg.gather [hbm4b:s2+s13], $0x1, v1, vm0, $0x4038;
	[tilespmem:$0x8400] =	vst v63  }
0xcf: {  	v1 =	vadd.s32 $0xF42880, v0;
	(ifvalue) =	ssetifvalue $0x7FFFFFFF  }
0xd0: {  	s22 =	sadd.s32 $0x2000, s21;
	(ifvalue) =	ssetifvalue $0x7FFFFFFF  }
0xd1: {  	[tilespmem:s22], [sflag:$0x1] =	stream.indirect_vreg.gather [hbm4b:s2+s13], $0x1, v2, vm0, $0x4038;
	[tilespmem:$0x8400] =	vst v63  }
0xd2: {  	v2 =	vadd.s32 $0xF42900, v0;
	(ifvalue) =	ssetifvalue $0x7FFFFFFF  }
0xd3: {  	s22 =	sadd.s32 $0x2080, s21;
	(ifvalue) =	ssetifvalue $0x7FFFFFFF  }
0xd4: {  	[tilespmem:s22], [sflag:$0x1] =	stream.indirect_vreg.gather [hbm4b:s2+s13], $0x1, v1, vm0, $0x4038;
	[tilespmem:$0x8400] =	vst v63  }
0xd5: {  	v1 =	vadd.s32 $0xF42980, v0;
	(ifvalue) =	ssetifvalue $0x7FFFFFFF  }
0xd6: {  	s22 =	sadd.s32 $0x2100, s21;
	(ifvalue) =	ssetifvalue $0x7FFFFFFF  }
0xd7: {  	[tilespmem:s22], [sflag:$0x1] =	stream.indirect_vreg.gather [hbm4b:s2+s13], $0x1, v2, vm0, $0x4038;
	[tilespmem:$0x8400] =	vst v63  }
0xd8: {  	v2 =	vadd.s32 $0xF42A00, v0;
	(ifvalue) =	ssetifvalue $0x7FFFFFFF  }
0xd9: {  	s22 =	sadd.s32 $0x2180, s21;
	(ifvalue) =	ssetifvalue $0x7FFFFFFF  }
0xda: {  	[tilespmem:s22], [sflag:$0x1] =	stream.indirect_vreg.gather [hbm4b:s2+s13], $0x1, v1, vm0, $0x4038;
	[tilespmem:$0x8400] =	vst v63  }
0xdb: {  	v1 =	vadd.s32 $0xF42A80, v0;
	(ifvalue) =	ssetifvalue $0x7FFFFFFF  }
0xdc: {  	s22 =	sadd.s32 $0x2200, s21;
	(ifvalue) =	ssetifvalue $0x7FFFFFFF  }
0xdd: {  	[tilespmem:s22], [sflag:$0x1] =	stream.indirect_vreg.gather [hbm4b:s2+s13], $0x1, v2, vm0, $0x4038;
	[tilespmem:$0x8400] =	vst v63  }
0xde: {  	v2 =	vadd.s32 $0xF42B00, v0;
	(ifvalue) =	ssetifvalue $0x7FFFFFFF  }
0xdf: {  	s22 =	sadd.s32 $0x2280, s21;
	(ifvalue) =	ssetifvalue $0x7FFFFFFF  }
0xe0: {  	[tilespmem:s22], [sflag:$0x1] =	stream.indirect_vreg.gather [hbm4b:s2+s13], $0x1, v1, vm0, $0x4038;
	[tilespmem:$0x8400] =	vst v63  }
0xe1: {  	v1 =	vadd.s32 $0xF42B80, v0;
	(ifvalue) =	ssetifvalue $0x7FFFFFFF  }
0xe2: {  	s22 =	sadd.s32 $0x2300, s21;
	(ifvalue) =	ssetifvalue $0x7FFFFFFF  }
0xe3: {  	[tilespmem:s22], [sflag:$0x1] =	stream.indirect_vreg.gather [hbm4b:s2+s13], $0x1, v2, vm0, $0x4038;
	[tilespmem:$0x8400] =	vst v63  }
0xe4: {  	v2 =	vadd.s32 $0x16E3C00, v0;
	(ifvalue) =	ssetifvalue $0x7FFFFFFF  }
0xe5: {  	s22 =	sadd.s32 $0x2380, s21;
	(ifvalue) =	ssetifvalue $0x7FFFFFFF  }
0xe6: {  	[tilespmem:s22], [sflag:$0x1] =	stream.indirect_vreg.gather [hbm4b:s2+s13], $0x1, v1, vm0, $0x4038;
	[tilespmem:$0x8400] =	vst v63  }
0xe7: {  	v1 =	vadd.s32 $0x16E3C80, v0;
	(ifvalue) =	ssetifvalue $0x7FFFFFFF  }
0xe8: {  	s22 =	sadd.s32 $0x3000, s21;
	(ifvalue) =	ssetifvalue $0x7FFFFFFF  }
0xe9: {  	[tilespmem:s22], [sflag:$0x1] =	stream.indirect_vreg.gather [hbm4b:s2+s13], $0x1, v2, vm0, $0x4038;
	[tilespmem:$0x8400] =	vst v63  }
0xea: {  	v2 =	vadd.s32 $0x16E3D00, v0;
	(ifvalue) =	ssetifvalue $0x7FFFFFFF  }
0xeb: {  	s22 =	sadd.s32 $0x3080, s21;
	(ifvalue) =	ssetifvalue $0x7FFFFFFF  }
0xec: {  	[tilespmem:s22], [sflag:$0x1] =	stream.indirect_vreg.gather [hbm4b:s2+s13], $0x1, v1, vm0, $0x4038;
	[tilespmem:$0x8400] =	vst v63  }
0xed: {  	v1 =	vadd.s32 $0x16E3D80, v0;
	(ifvalue) =	ssetifvalue $0x7FFFFFFF  }
0xee: {  	s22 =	sadd.s32 $0x3100, s21;
	(ifvalue) =	ssetifvalue $0x7FFFFFFF  }
0xef: {  	[tilespmem:s22], [sflag:$0x1] =	stream.indirect_vreg.gather [hbm4b:s2+s13], $0x1, v2, vm0, $0x4038;
	[tilespmem:$0x8400] =	vst v63  }
0xf0: {  	v2 =	vadd.s32 $0x16E3E00, v0;
	(ifvalue) =	ssetifvalue $0x7FFFFFFF  }
0xf1: {  	s22 =	sadd.s32 $0x3180, s21;
	(ifvalue) =	ssetifvalue $0x7FFFFFFF  }
0xf2: {  	[tilespmem:s22], [sflag:$0x1] =	stream.indirect_vreg.gather [hbm4b:s2+s13], $0x1, v1, vm0, $0x4038;
	[tilespmem:$0x8400] =	vst v63  }
0xf3: {  	v1 =	vadd.s32 $0x16E3E80, v0;
	(ifvalue) =	ssetifvalue $0x7FFFFFFF  }
0xf4: {  	s22 =	sadd.s32 $0x3200, s21;
	(ifvalue) =	ssetifvalue $0x7FFFFFFF  }
0xf5: {  	[tilespmem:s22], [sflag:$0x1] =	stream.indirect_vreg.gather [hbm4b:s2+s13], $0x1, v2, vm0, $0x4038;
	[tilespmem:$0x8400] =	vst v63  }
0xf6: {  	v2 =	vadd.s32 $0x16E3F00, v0;
	(ifvalue) =	ssetifvalue $0x7FFFFFFF  }
0xf7: {  	s22 =	sadd.s32 $0x3280, s21;
	(ifvalue) =	ssetifvalue $0x7FFFFFFF  }
0xf8: {  	[tilespmem:s22], [sflag:$0x1] =	stream.indirect_vreg.gather [hbm4b:s2+s13], $0x1, v1, vm0, $0x4038;
	[tilespmem:$0x8400] =	vst v63  }
.Ltmp3:
0xf9: {  	v0 =	vadd.s32 $0x16E3F80, v0;
	(ifvalue) =	ssetifvalue $0x7FFFFFFF;
	(pc) =	sbr.rel @p1 .LBB2_3-.Ltmp3, $4  }
0xfa: {  	s22 =	sadd.s32 $0x3300, s21;
	(ifvalue) =	ssetifvalue $0x7FFFFFFF  }
0xfb: {  	[tilespmem:s22], [sflag:$0x1] =	stream.indirect_vreg.gather [hbm4b:s2+s13], $0x1, v2, vm0, $0x4038;
	[tilespmem:$0x8400] =	vst v63  }
0xfc: {  	s19 =	sadd.s32 $0x10, s19;
	(ifvalue) =	ssetifvalue $0x7FFFFFFF  }
0xfd: {  	s20 =	sadd.s32 $0x80, s20;
	s21 =	sadd.s32 $0x3380, s21;
	(ifvalue) =	ssetifvalue $0x7FFFFFFF  }
.Ltmp4:
0xfe: {  	_ = 	snop;
	(pc) =	sbr.rel .LBB2_4-.Ltmp4, $1  }
0xff: {  	_ =	sdelay $0x3  }
.LBB2_6:
0x100: {  	_ =	sfence.sel $0x180000  }
0x101: {  	s2 =	simm.s32 $0x2;
	[bflag:$0x0] =	sbarrier.arrive $0xFFFF  }
0x102: {  	s30 =	simm.s32 $0x3;
	[sflag:s2] =	ssyncpa.u1 $0x1  }
0x103: {  	s31 =	simm.s32 $0x1;
	[sflag:s30] =	ssyncpa.u1 $0x1  }
0x104: {  	[sflag:s31] =	ssyncpa.u1 $0x1  }
0x105: {  	p0 =	sne.s32 s0, $0x0;
	_ =	strace $0x9000004A  }
0x106: {  	s0 =	sadd.s32 @!p0 $0x100000, s1;
	[bflag:$0x2] =	sbarrier.arrive $0xFFFF  }
0x107: {  	[sflag:s0] =	ssyncadd.tile.s32 @!p0 $0x1;
	_ =	shalt  }
.Lfunc_end2:
_tile_overlayer_lowered:
.L_overlay_start_2:
0x108: {  	(tag) =	ssettag $0x2  }
0x109: {  	s0 =	rddreg [dreg:$0x0];
	s2 =	stileid.u32  }
0x10a: {  	s1 =	rddreg [dreg:$0x1];
	p0 =	sne.s32 s2, $0x0  }
0x10b: {  	s3 =	rddreg [dreg:$0x2];
	[bflag:$0x3] =	sbarrier.arrive $0xFFFF;
	s2 =	simm.s32 @!p0 $0x1C01  }
0x10c: {  	[timem:s3], [sflag:s2] =	dma.local @!p0 [hbm:s0], s1  }
0x10d: {  	s0 =	simm.s32 @!p0 $0x1  }
0x10e: {  	_ =	swait.ge @!p0 [sflag:s0], s1  }
0x10f: {  	s1 =	ssub.s32 @!p0 $0x0, s1;
	[sflag:s0] =	ssyncset.done @!p0 $0x0  }
0x110: {  	[sflag:s0] =	ssyncadd.s32 @!p0 s1  }
0x111: {  	[bflag:$0x3] =	sbarrier.arrive $0xFFFF  }
0x112: {  	_ =	shalt  }

// kernel: gather_offload_async_start
scs
__scs_entry_jumppad:
0x0: {  	(pc) =	sbr.rel $0x88, $3  }
0x1: {  	(tag) =	ssettag $0x0;
	lr =	simm.s32 $0x1  }
0x2: {  	[smem:$0x3F91] =	sst lr;
	_ =	strace $0xD0000000  }
0x3: {  	_ = 	snop  }
0x4: {  	_ = 	snop  }
0x5: {  	_ = 	snop  }
0x6: {  	_ = 	snop  }
0x7: {  	_ = 	snop  }
__scs_overlays_trampoline_lowered:
0x8: {  	[smem:$0x3FA0] =	sst s0  }
0x9: {  	[smem:$0x3FA1] =	sst s1  }
0xa: {  	[smem:$0x3FA2] =	sst s2  }
0xb: {  	[smem:$0x3FA3] =	sst s3  }
0xc: {  	[smem:$0x3FA4] =	sst s4  }
0xd: {  	[smem:$0x3FA5] =	sst s5  }
0xe: {  	[smem:$0x3FA6] =	sst s6  }
0xf: {  	[smem:$0x3FA7] =	sst s7  }
0x10: {  	[smem:$0x3FA8] =	sst s8  }
0x11: {  	[smem:$0x3FA9] =	sst s9;
	s0 =	simm.s32 @!p0 $0x0  }
0x12: {  	s1 =	sld [smem:$0x3F8F];
	s0 =	simm.s32 @p0 $0x1  }
0x13: {  	[smem:$0x3FAA] =	sst s0;
	s0 =	simm.s32 @!p1 $0x0  }
0x14: {  	s2 =	sld [smem:$0x3F8E];
	s0 =	simm.s32 @p1 $0x1  }
0x15: {  	[smem:$0x3FAB] =	sst s0;
	s0 =	simm.s32 @!p2 $0x0  }
0x16: {  	s3 =	sld [smem:$0x3FDB];
	s0 =	simm.s32 @p2 $0x1  }
0x17: {  	s4 =	simm.s32 $0x1BF5;
	[smem:$0x3FAD] =	sst s0  }
0x18: {  	s0 =	sld [smem:$0x3F90];
	_ =	swait.ge [sflag:s4], $0x0  }
0x19: {  	s7 =	sld [smem:$0x3F91]  }
0x1a: {  	s8 =	sadd.s32 $0xFFFFE003, lr  }
0x1b: {  	s9 =	sadd.s32 $0xFFFFFEF7, lr;
	s5 =	simm.s32 $0xFFFFFFFF;
	p2 =	slt.u32 s8, $0xFFFFF086  }
0x1c: {  	p1 =	slt.u32 s9, $0xF7A;
	s5 =	simm.s32 @!p2 $0x0  }
0x1d: {  	s5 =	simm.s32 @p1 $0x1;
	p0 =	seq.s32 s7, s2  }
0x1e: {  	s7 =	smul.u32 @!p0 $0xF7A, s2;
	p2 =	seq.s32 @!p0 s5, $0x0  }
0x1f: {  	s9 =	smul.u32 $0xF7A, s1;
	s8 =	simm.s32 @!p0 $0x1BF5;
	p2 =	por !p2, p0  }
0x20: {  	[sflag:s8] =	ssyncset.s32 @!p0 $0xFFFFF086;
	s6 =	sadd.s32 @!p0 s3, s7;
	s7 =	simm.s32 @!p0 $0x108  }
0x21: {  	s3 =	sadd.s32 s3, s9;
	s6 =	sadd.s32 @!p0 $0x88, s6;
	s7 =	simm.s32 @p2 $0x1082  }
0x22: {  	[simem:s7], [sflag:s8] =	dma.local @!p0 [hbm:s6], $0xF7A  }
0x23: {  	s9 =	sor.u32 $0xD0000000, s2;
	s6 =	simm.s32 $0x108;
	_ =	swait.ge @!p0 [sflag:s8], $0x0  }
0x24: {  	s3 =	sadd.s32 $0x88, s3;
	s6 =	simm.s32 @!p1 $0x1082;
	[sflag:s4] =	ssyncset.s32 $0xFFFFF086  }
0x25: {  	[simem:s6], [sflag:s4] =	dma.local [hbm:s3], $0xF7A  }
0x26: {  	[smem:$0x3F91] =	sst s1;
	(tag) =	ssettag s2;
	_ =	strace s9  }
0x27: {  	s1 =	sld [smem:$0x3FA1]  }
0x28: {  	s2 =	sld [smem:$0x3FA2]  }
0x29: {  	s4 =	sld [smem:$0x3FA4]  }
0x2a: {  	p0 =	seq.s32 s5, $0x0;
	s5 =	sld [smem:$0x3FA5]  }
0x2b: {  	s6 =	sld [smem:$0x3FA6]  }
0x2c: {  	s7 =	sld [smem:$0x3FA7]  }
0x2d: {  	s3 =	simm.s32 $0x108;
	s8 =	sld [smem:$0x3FA8]  }
0x2e: {  	s3 =	simm.s32 @!p0 $0x1082;
	s9 =	sld [smem:$0x3FA9]  }
0x2f: {  	lr =	sadd.s32 s0, s3;
	s0 =	sld [smem:$0x3FA0]  }
0x30: {  	s3 =	sld [smem:$0x3FA3]  }
0x31: {  	[smem:$0x3FAC] =	sst s10  }
0x32: {  	s10 =	sld [smem:$0x3FAA];
	_ =	sdelay $0x3  }
0x33: {  	p0 =	seq.s32 s10, $0x1;
	s10 =	sld [smem:$0x3FAC];
	_ =	sdelay $0x3  }
0x34: {  	[smem:$0x3FAC] =	sst s10  }
0x35: {  	s10 =	sld [smem:$0x3FAB];
	_ =	sdelay $0x3  }
0x36: {  	p1 =	seq.s32 s10, $0x1;
	s10 =	sld [smem:$0x3FAC];
	_ =	sdelay $0x3  }
0x37: {  	[smem:$0x3FAC] =	sst s10  }
0x38: {  	s10 =	sld [smem:$0x3FAD]  }
0x39: {  	_ = 	snop;
	(pc) =	sbr.ind lr, $3  }
0x3a: {  	_ = 	snop  }
0x3b: {  	_ = 	snop  }
0x3c: {  	p2 =	seq.s32 s10, $0x1;
	s10 =	sld [smem:$0x3FAC]  }
0x3d: {  	_ =	shalt  }
0x3e: {  	_ =	shalt  }
0x3f: {  	_ =	shalt  }
0x40: {  	_ =	shalt  }
0x41: {  	_ =	shalt  }
0x42: {  	_ =	shalt  }
0x43: {  	_ =	shalt  }
0x44: {  	_ =	shalt  }
0x45: {  	_ =	shalt  }
0x46: {  	_ =	shalt  }
0x47: {  	_ =	shalt  }
0x48: {  	_ =	shalt  }
0x49: {  	_ =	shalt  }
0x4a: {  	_ =	shalt  }
0x4b: {  	_ =	shalt  }
0x4c: {  	_ =	shalt  }
0x4d: {  	_ =	shalt  }
0x4e: {  	_ =	shalt  }
0x4f: {  	_ =	shalt  }
0x50: {  	_ =	shalt  }
0x51: {  	_ =	shalt  }
0x52: {  	_ =	shalt  }
0x53: {  	_ =	shalt  }
0x54: {  	_ =	shalt  }
0x55: {  	_ =	shalt  }
0x56: {  	_ =	shalt  }
0x57: {  	_ =	shalt  }
0x58: {  	_ =	shalt  }
0x59: {  	_ =	shalt  }
0x5a: {  	_ =	shalt  }
0x5b: {  	_ =	shalt  }
0x5c: {  	_ =	shalt  }
0x5d: {  	_ =	shalt  }
0x5e: {  	_ =	shalt  }
0x5f: {  	_ =	shalt  }
0x60: {  	_ =	shalt  }
0x61: {  	_ =	shalt  }
0x62: {  	_ =	shalt  }
0x63: {  	_ =	shalt  }
0x64: {  	_ =	shalt  }
0x65: {  	_ =	shalt  }
0x66: {  	_ =	shalt  }
0x67: {  	_ =	shalt  }
0x68: {  	_ =	shalt  }
0x69: {  	_ =	shalt  }
0x6a: {  	_ =	shalt  }
0x6b: {  	_ =	shalt  }
0x6c: {  	_ =	shalt  }
0x6d: {  	_ =	shalt  }
0x6e: {  	_ =	shalt  }
0x6f: {  	_ =	shalt  }
0x70: {  	_ =	shalt  }
0x71: {  	_ =	shalt  }
0x72: {  	_ =	shalt  }
0x73: {  	_ =	shalt  }
0x74: {  	_ =	shalt  }
0x75: {  	_ =	shalt  }
0x76: {  	_ =	shalt  }
0x77: {  	_ =	shalt  }
0x78: {  	_ =	shalt  }
0x79: {  	_ =	shalt  }
0x7a: {  	_ =	shalt  }
0x7b: {  	_ =	shalt  }
0x7c: {  	_ =	shalt  }
0x7d: {  	_ =	shalt  }
0x7e: {  	_ =	shalt  }
0x7f: {  	_ =	shalt  }
0x80: {  	_ =	shalt  }
0x81: {  	_ =	shalt  }
0x82: {  	_ =	shalt  }
0x83: {  	_ =	shalt  }
0x84: {  	_ =	shalt  }
0x85: {  	_ =	shalt  }
0x86: {  	_ =	shalt  }
0x87: {  	_ =	shalt  }
.Lfunc_end0:
.L_simem_size_0:
called_computation_lowered:
.L_overlay_start_0:
0x88: {  	s2 =	sld [smem:$0x3FD9]  }
0x89: {  	s3 =	sld [smem:$0x3FFE];
	_ =	sdelay $0x1  }
0x8a: {  	s1 =	srdreg.scid  }
0x8b: {  	s0 =	sand.u32 $0x1, s1  }
0x8c: {  	s17 =	sshll.u32 s0, $0xA;
	s2 =	sadd.s32 s3, s2  }
0x8d: {  	s2 =	sadd.s32 s2, s17  }
0x8e: {  	[smem:$0x3FB8] =	sst s2  }
0x8f: {  	_ = 	snop  }
0x90: {  	s18 =	sld [smem:$0x3FC5]  }
0x91: {  	s4 =	sld [smem:$0x3FD0];
	(tm) =	ssettm $0x1  }
0x92: {  	s19 =	sld [smem:$0x3FFB];
	_ =	sdelay $0x3  }
0x93: {  	_ =	strace s19  }
0x94: {  	s2 =	sld [smem:$0x3FFC];
	_ =	sdelay $0x3  }
0x95: {  	_ =	strace s2  }
0x96: {  	s2 =	sld [smem:$0x3FFD];
	_ =	sdelay $0x3  }
0x97: {  	_ =	strace s2  }
0x98: {  	_ =	strace $0x8FFFFFFF  }
0x99: {  	s20 =	sld [smem:$0x3FDB];
	_ =	sdelay $0x1  }
0x9a: {  	s5 =	simm.s32 $_scs_section_size  }
0x9b: {  	s6 =	simm.s32 $_size__tile_overlayer_lowered;
	s7 =	simm.s32 $_tile_overlayer_lowered  }
0x9c: {  	s8 =	simm.s32 $0x1BFF;
	s21 =	sshll.u32 s7, $0x1;
	s5 =	sadd.s32 s5, s20  }
0x9d: {  	s22 =	simm.s32 $0x0;
	s6 =	sshll.u32 s6, $0x1;
	s7 =	sadd.s32 s21, s5  }
0x9e: {  	[timem:s22], [sflag:s8] =	dma.local [hbm:s7], s6  }
0x9f: {  	_ =	swait.ge [sflag:s8], s6  }
0xa0: {  	s6 =	ssub.s32 $0x0, s6;
	[sflag:s8] =	ssyncset.done $0x0  }
0xa1: {  	[sflag:s8] =	ssyncadd.s32 s6;
	_ =	sdelay $0x1  }
0xa2: {  	s23 =	simm.s32 $0x1B8B  }
0xa3: {  	_ =	swait.ge [sflag:s23], $0x1  }
0xa4: {  	[sflag:s23] =	ssyncset.done $0x0  }
0xa5: {  	[sflag:s23] =	ssyncadd.s32 $0xFFFFFFFF  }
0xa6: {  	s6 =	sld [smem:$0x0]  }
0xa7: {  	s7 =	sand.u32 $0xFFFFFFFE, s1  }
0xa8: {  	p0 =	sne.s32 s1, s7  }
0xa9: {  	s7 =	sshll.u32 @p0 s7, $0xE  }
0xaa: {  	s7 =	sadd.s32 @p0 $0x11B8D, s7;
	s8 =	sshll.u32 @p0 s6, $0x11  }
0xab: {  	s7 =	sor.u32 @p0 s8, s7  }
0xac: {  	[sflag:s7] =	ssyncadd.remote.s32 @p0 $0x1;
	_ =	sdelay $0x1  }
0xad: {  	s7 =	simm.s32 @p0 $0x1B8D  }
0xae: {  	_ =	swait.eq @p0 [sflag:s7], $0x1  }
0xaf: {  	[sflag:s7] =	ssyncadd.s32 @p0 $0xFFFFFFFF  }
0xb0: {  	s8 =	sshll.u32 @!p0 s1, $0xE  }
0xb1: {  	s8 =	sor.u32 @!p0 $0x4000, s8;
	s7 =	simm.s32 @!p0 $0x1B8D  }
0xb2: {  	s6 =	sshll.u32 @!p0 s6, $0x11;
	s8 =	sadd.s32 @!p0 $0x11B8D, s8;
	_ =	swait.eq @!p0 [sflag:s7], $0x1  }
0xb3: {  	s6 =	sor.u32 @!p0 s6, s8;
	[sflag:s7] =	ssyncadd.s32 @!p0 $0xFFFFFFFF  }
0xb4: {  	s25 =	simm.s32 $0x1B8E;
	s24 =	sld [smem:$0x3FFE];
	[sflag:s6] =	ssyncadd.remote.s32 @!p0 $0x1  }
0xb5: {  	s26 =	simm.s32 $execute0_lowered;
	[smem:$0x3FD2] =	sst s25  }
0xb6: {  	s7 =	sshll.u32 s26, $0x1;
	_ =	strace $0x8000004C;
	[dreg:$0x1] =	wrdreg $0xFFFFFFFF  }
0xb7: {  	s28 =	simm.s32 $_size_execute0_lowered;
	s5 =	sadd.s32 s5, s7;
	[dreg:$0x0] =	wrdreg $0x0  }
0xb8: {  	s7 =	sshll.u32 s28, $0x1;
	[dreg:$0x2] =	wrdreg s5  }
0xb9: {  	[dreg:$0x3] =	wrdreg s7  }
0xba: {  	[dreg:$0x4] =	wrdreg $0xC0  }
0xbb: {  	_ =	task [dreg:s22], $0x5FFFF  }
0xbc: {  	[dreg:$0x1] =	wrdreg $0xFFFFFFFF  }
0xbd: {  	[dreg:$0x0] =	wrdreg $0x60  }
0xbe: {  	[dreg:$0x2] =	wrdreg s18  }
0xbf: {  	[dreg:$0x3] =	wrdreg s4  }
0xc0: {  	[dreg:$0x4] =	wrdreg s24  }
0xc1: {  	[dreg:$0x5] =	wrdreg $0x9  }
0xc2: {  	_ =	task.clear_ibuf [dreg:s22], $0x6FFFF;
	_ =	strace $0x9000004C  }
0xc3: {  	s29 =	simm.s32 $0x9;
	_ =	strace $0x8000004E  }
0xc4: {  	_ =	swait.ge [sflag:s29], $0x1  }
0xc5: {  	[sflag:s29] =	ssyncadd.s32 $0xFFFFFFFF  }
0xc6: {  	_ =	strace $0x9000004E  }
0xc7: {  	_ =	sfence  }
0xc8: {  	s30 =	sld [smem:$0x0];
	_ =	sdelay $0x2  }
0xc9: {  	s31 =	sshll.u32 s1, $0xD;
	s1 =	sshrl.u32 s1, $0x2  }
0xca: {  	s4 =	sand.u32 $0x4000, s31;
	s1 =	sadd.s32 s1, s30  }
0xcb: {  	s0 =	sor.u32 s4, s0;
	s1 =	sshll.u32 s1, $0x11  }
0xcc: {  	s0 =	sor.u32 s1, s0  }
0xcd: {  	s0 =	sadd.s32 $0x8F2B, s0  }
0xce: {  	[sflag:s0] =	ssyncadd.remote.s32 $0x1  }
0xcf: {  	_ =	sfence.sel $0xFFFF  }
0xd0: {  	[dreg:$0x0] =	wrdreg $0xFFFFFFFF;
	(pc) =	sbr.abs _section_cstart, $3  }
0xd1: {  	[dreg:$0x1] =	wrdreg $0xFFFFFFFF  }
0xd2: {  	_ =	task.clear_ibuf [dreg:s22], $0x2FFFF;
	_ =	strace $0x9FFFFFFF  }
0xd3: {  	(tm) =	ssettm $0x7FFFFFFF  }
tec
execute0_lowered:
.L_overlay_start_1:
0x0: {  	(tag) =	ssettag $0x1  }
0x1: {  	s2 =	rddreg [dreg:$0x0]  }
0x2: {  	s8 =	rddreg [dreg:$0x1];
	s0 =	srdreg.scid  }
0x3: {  	s11 =	rddreg [dreg:$0x2];
	s1 =	stileid.u32;
	s5 =	simm.s32 $0x1  }
0x4: {  	s6 =	simm.s32 $0x2;
	s10 =	simm.s32 $0x3;
	s13 =	simm.s32 $0x0  }
0x5: {  	s15 =	simm.s32 $0x0;
	s3 =	sshll.u32 s0, $0x9;
	s0 =	rddreg [dreg:$0x3]  }
0x6: {  	s4 =	sshll.u32 s1, $0xA;
	_ =	strace $0x8000004D;
	s3 =	sand.u32 $0x200, s3  }
0x7: {  	s14 =	simm.s32 $0x0;
	[sflag:s5] =	ssyncpa.u1 $0x0;
	s3 =	sor.u32 s4, s3  }
0x8: {  	s4 =	sadd.s32 $0x23200, s11;
	[sflag:s6] =	ssyncpa.u1 $0x0;
	s7 =	ssub.s32 $0x4000, s3  }
.Ltmp0:
0x9: {  	[sflag:s10] =	ssyncpa.u1 $0x0;
	s9 =	sand.u32 $0x3E00, s7;
	(pc) =	sbr.rel .LBB2_1-.Ltmp0, $4  }
0xa: {  	s31 =	sshrl.u32 s3, $0x3;
	p0 =	sne.s32 s9, $0x0;
	s9 =	simm.s32 $0x1  }
0xb: {  	s10 =	sadd.s32 $0x2B200, s11;
	s7 =	sshrl.u32 s7, $0xE;
	s9 =	simm.s32 @!p0 $0x0  }
0xc: {  	s8 =	sadd.s32 s8, s31;
	p0 =	por $0x0, $0x0;
	s7 =	sadd.s32 s9, s7  }
0xd: {  	vm0 =	vmmov $0xffff;
	s9 =	sadd.s32 $0x27200, s11;
	s11 =	sadd.s32 $0x2F200, s11;
	s12 =	sadd.s32 $0x1, s7  }
.LBB2_4:
0xe: {  	_ =	sdelay $0x3  }
0xf: {  	[tilespmem:s21], [sflag:$0x1] =	stream.indirect_vreg.gather [hbm4b:s2+s13], $0x1, v0, vm0, $0x4038;
	[tilespmem:$0x8400] =	vst v63  }
0x10: {  	s18 =	sshll.u32 s15, $0x3  }
0x11: {  	s24 =	sand.u32 $0x78, s15;
	s18 =	sand.u32 $0x7FFFFC00, s18  }
0x12: {  	_ =	swait.ge [sflag:s5], $0x4000;
	s15 =	sor.u32 s24, s18  }
0x13: {  	[sflag:s5] =	ssyncset.done $0x0;
	s15 =	sshrl.u32 s15, $0x3  }
0x14: {  	[sflag:s5] =	ssyncadd.s32 $0xFFFFC000;
	s25 =	sadd.s32 s4, s15  }
0x15: {  	[hbm:s25] =	stream.linear.scatter [tilespmem:s17], [sflag:$0x3], $0x1000, $0x38;
	[tilespmem:$0x8400] =	vst v63  }
0x16: {  	s26 =	sadd.s32 $0x1400, s16;
	s28 =	sadd.s32 s15, s9  }
0x17: {  	[hbm:s28] =	stream.linear.scatter [tilespmem:s26], [sflag:$0x3], $0x1000, $0x38;
	[tilespmem:$0x8400] =	vst v63  }
0x18: {  	s29 =	sadd.s32 $0x2400, s16;
	s30 =	sadd.s32 s15, s10  }
0x19: {  	[hbm:s30] =	stream.linear.scatter [tilespmem:s29], [sflag:$0x3], $0x1000, $0x38;
	[tilespmem:$0x8400] =	vst v63  }
0x1a: {  	s31 =	sadd.s32 $0x3400, s16;
	s15 =	sadd.s32 s15, s11  }
0x1b: {  	[hbm:s15] =	stream.linear.scatter [tilespmem:s31], [sflag:$0x3], $0x1000, $0x38;
	[tilespmem:$0x8400] =	vst v63  }
.LBB2_5:
0x1c: {  	p2 =	sne.s32 s14, s12  }
.Ltmp1:
0x1d: {  	p1 =	slt.u32 s14, $0x2;
	(pc) =	sbr.rel @!p2 .LBB2_6-.Ltmp1, $4  }
0x1e: {  	s15 =	simm.s32 @!p1 $0x3  }
0x1f: {  	_ =	swait.ge @!p1 [sflag:s15], $0x4000  }
0x20: {  	s16 =	sadd.s32 $0x1, s14;
	p0 =	por !p0, !p0;
	[sflag:s15] =	ssyncset.done @!p1 $0x0  }
0x21: {  	s14 =	smov.u32 s16;
	[sflag:s15] =	ssyncadd.s32 @!p1 $0xFFFFC000;
	s15 =	smov.u32 s3  }
.LBB2_1:
0x22: {  	p1 =	sge.u32 s14, s7  }
0x23: {  	s16 =	sxor.u32 @!p1 $0xFFFFFFFF, s14  }
0x24: {  	s16 =	sshll.u32 @!p1 s16, $0x9  }
0x25: {  	s31 =	sadd.s32 $0xFFFFFFFF, s14;
	s17 =	simm.s32 @!p1 $0x0;
	s16 =	sand.u32 @!p1 $0x200, s16  }
0x26: {  	[tilespmem:s16], [sflag:$0x2] =	stream.linear.gather @!p1 [hbm4b:s8+s17], $0x200, $0x38;
	[tilespmem:$0x8400] =	vst v63  }
0x27: {  	p1 =	sge.u32 s31, s7  }
.Ltmp2:
0x28: {  	_ = 	snop;
	(pc) =	sbr.rel @p1 .LBB2_5-.Ltmp2, $1  }
0x29: {  	_ =	sdelay $0x3  }
0x2a: {  	s16 =	simm.s32 $0x1;
	_ =	swait.ge [sflag:s6], $0x200  }
0x2b: {  	s16 =	simm.s32 @!p0 $0x0;
	[sflag:s6] =	ssyncset.done $0x0  }
0x2c: {  	s19 =	sshll.u32 s16, $0x9;
	[sflag:s6] =	ssyncadd.s32 $0xFFFFFE00  }
0x2d: {  	v0 =	vld.msk [tilespmem:s19+$0x0 ss:$0x1], $0xffff;
	_ =	sdelay $0x4  }
0x2e: {  	vm1 =	vgt.s32 v0, $0x0  }
0x2f: {  	v0 =	vnsel vm1, $0x0, v0  }
0x30: {  	v0 =	vmin.u32 v0, $0xF423F  }
0x31: {  	v1 =	vshll.u32 v0, $0x3  }
0x32: {  	v0 =	vand.u32 $0x7F, v0;
	v1 =	vand.u32 $0x7FFC00, v1  }
0x33: {  	s22 =	sshll.u32 s14, $0xE;
	v0 =	vor.u32 v0, v1  }
0x34: {  	s18 =	simm.s32 $0x0;
	s16 =	sand.u32 $0x4000, s22  }
0x35: {  	s20 =	sand.u32 $0xC00, s18;
	s17 =	sor.u32 $0x400, s16  }
0x36: {  	s21 =	sand.u32 $0x70, s18;
	(ifvalue) =	ssetifvalue $0x7FFFFFFF;
	s20 =	sadd.s32 s20, s17;
	v1 =	vor.u32 $0x80, v0  }
0x37: {  	(ifvalue) =	ssetifvalue $0x7FFFFFFF;
	s20 =	sadd.s32 s21, s20  }
0x38: {  	[tilespmem:s20], [sflag:$0x1] =	stream.indirect_vreg.gather [hbm4b:s2+s13], $0x1, v0, vm0, $0x4038;
	[tilespmem:$0x8400] =	vst v63  }
0x39: {  	v2 =	vor.u32 $0x100, v0;
	(ifvalue) =	ssetifvalue $0x7FFFFFFF  }
0x3a: {  	s21 =	sadd.s32 $0x80, s20;
	(ifvalue) =	ssetifvalue $0x7FFFFFFF  }
0x3b: {  	[tilespmem:s21], [sflag:$0x1] =	stream.indirect_vreg.gather [hbm4b:s2+s13], $0x1, v1, vm0, $0x4038;
	[tilespmem:$0x8400] =	vst v63  }
0x3c: {  	v1 =	vor.u32 $0x180, v0;
	(ifvalue) =	ssetifvalue $0x7FFFFFFF  }
0x3d: {  	s23 =	sadd.s32 $0x100, s20;
	(ifvalue) =	ssetifvalue $0x7FFFFFFF  }
0x3e: {  	[tilespmem:s23], [sflag:$0x1] =	stream.indirect_vreg.gather [hbm4b:s2+s13], $0x1, v2, vm0, $0x4038;
	[tilespmem:$0x8400] =	vst v63  }
0x3f: {  	v2 =	vor.u32 $0x200, v0;
	(ifvalue) =	ssetifvalue $0x7FFFFFFF  }
0x40: {  	s24 =	sadd.s32 $0x180, s20;
	(ifvalue) =	ssetifvalue $0x7FFFFFFF  }
0x41: {  	[tilespmem:s24], [sflag:$0x1] =	stream.indirect_vreg.gather [hbm4b:s2+s13], $0x1, v1, vm0, $0x4038;
	[tilespmem:$0x8400] =	vst v63  }
0x42: {  	(ifvalue) =	ssetifvalue $0x7FFFFFFF;
	v1 =	vor.u32 $0x280, v0  }
0x43: {  	s25 =	sadd.s32 $0x200, s20;
	(ifvalue) =	ssetifvalue $0x7FFFFFFF  }
0x44: {  	[tilespmem:s25], [sflag:$0x1] =	stream.indirect_vreg.gather [hbm4b:s2+s13], $0x1, v2, vm0, $0x4038;
	[tilespmem:$0x8400] =	vst v63  }
0x45: {  	(ifvalue) =	ssetifvalue $0x7FFFFFFF;
	v2 =	vor.u32 $0x300, v0  }
0x46: {  	s26 =	sadd.s32 $0x280, s20;
	(ifvalue) =	ssetifvalue $0x7FFFFFFF  }
0x47: {  	[tilespmem:s26], [sflag:$0x1] =	stream.indirect_vreg.gather [hbm4b:s2+s13], $0x1, v1, vm0, $0x4038;
	[tilespmem:$0x8400] =	vst v63  }
0x48: {  	(ifvalue) =	ssetifvalue $0x7FFFFFFF;
	v1 =	vor.u32 $0x380, v0  }
0x49: {  	s18 =	sor.u32 s18, s18;
	s28 =	sadd.s32 $0x300, s20;
	(ifvalue) =	ssetifvalue $0x7FFFFFFF  }
0x4a: {  	[tilespmem:s28], [sflag:$0x1] =	stream.indirect_vreg.gather [hbm4b:s2+s13], $0x1, v2, vm0, $0x4038;
	[tilespmem:$0x8400] =	vst v63  }
0x4b: {  	s18 =	sor.u32 $0x380, s18;
	(ifvalue) =	ssetifvalue $0x7FFFFFFF;
	v2 =	vadd.s32 $0x7A1400, v0  }
0x4c: {  	s18 =	sadd.s32 s18, s17;
	(ifvalue) =	ssetifvalue $0x7FFFFFFF  }
0x4d: {  	[tilespmem:s18], [sflag:$0x1] =	stream.indirect_vreg.gather [hbm4b:s2+s13], $0x1, v1, vm0, $0x4038;
	[tilespmem:$0x8400] =	vst v63  }
0x4e: {  	(ifvalue) =	ssetifvalue $0x7FFFFFFF;
	v1 =	vadd.s32 $0x7A1480, v0  }
0x4f: {  	s29 =	sadd.s32 $0x1000, s20;
	(ifvalue) =	ssetifvalue $0x7FFFFFFF  }
0x50: {  	[tilespmem:s29], [sflag:$0x1] =	stream.indirect_vreg.gather [hbm4b:s2+s13], $0x1, v2, vm0, $0x4038;
	[tilespmem:$0x8400] =	vst v63  }
0x51: {  	(ifvalue) =	ssetifvalue $0x7FFFFFFF;
	v2 =	vadd.s32 $0x7A1500, v0  }
0x52: {  	s30 =	sadd.s32 $0x1080, s20;
	(ifvalue) =	ssetifvalue $0x7FFFFFFF  }
0x53: {  	[tilespmem:s30], [sflag:$0x1] =	stream.indirect_vreg.gather [hbm4b:s2+s13], $0x1, v1, vm0, $0x4038;
	[tilespmem:$0x8400] =	vst v63  }
0x54: {  	(ifvalue) =	ssetifvalue $0x7FFFFFFF;
	v1 =	vadd.s32 $0x7A1580, v0  }
0x55: {  	s31 =	sadd.s32 $0x1100, s20;
	(ifvalue) =	ssetifvalue $0x7FFFFFFF  }
0x56: {  	[tilespmem:s31], [sflag:$0x1] =	stream.indirect_vreg.gather [hbm4b:s2+s13], $0x1, v2, vm0, $0x4038;
	[tilespmem:$0x8400] =	vst v63  }
0x57: {  	(ifvalue) =	ssetifvalue $0x7FFFFFFF;
	v2 =	vadd.s32 $0x7A1600, v0  }
0x58: {  	s21 =	sadd.s32 $0x1180, s20;
	(ifvalue) =	ssetifvalue $0x7FFFFFFF  }
0x59: {  	[tilespmem:s21], [sflag:$0x1] =	stream.indirect_vreg.gather [hbm4b:s2+s13], $0x1, v1, vm0, $0x4038;
	[tilespmem:$0x8400] =	vst v63  }
0x5a: {  	(ifvalue) =	ssetifvalue $0x7FFFFFFF;
	v1 =	vadd.s32 $0x7A1680, v0  }
0x5b: {  	s22 =	sadd.s32 $0x1200, s20;
	(ifvalue) =	ssetifvalue $0x7FFFFFFF  }
0x5c: {  	[tilespmem:s22], [sflag:$0x1] =	stream.indirect_vreg.gather [hbm4b:s2+s13], $0x1, v2, vm0, $0x4038;
	[tilespmem:$0x8400] =	vst v63  }
0x5d: {  	(ifvalue) =	ssetifvalue $0x7FFFFFFF;
	v2 =	vadd.s32 $0x7A1700, v0  }
0x5e: {  	s23 =	sadd.s32 $0x1280, s20;
	(ifvalue) =	ssetifvalue $0x7FFFFFFF  }
0x5f: {  	[tilespmem:s23], [sflag:$0x1] =	stream.indirect_vreg.gather [hbm4b:s2+s13], $0x1, v1, vm0, $0x4038;
	[tilespmem:$0x8400] =	vst v63  }
0x60: {  	(ifvalue) =	ssetifvalue $0x7FFFFFFF;
	v1 =	vadd.s32 $0x7A1780, v0  }
0x61: {  	s24 =	sadd.s32 $0x1300, s20;
	(ifvalue) =	ssetifvalue $0x7FFFFFFF  }
0x62: {  	[tilespmem:s24], [sflag:$0x1] =	stream.indirect_vreg.gather [hbm4b:s2+s13], $0x1, v2, vm0, $0x4038;
	[tilespmem:$0x8400] =	vst v63  }
0x63: {  	(ifvalue) =	ssetifvalue $0x7FFFFFFF;
	v2 =	vadd.s32 $0xF42800, v0  }
0x64: {  	s25 =	sadd.s32 $0x1380, s20;
	(ifvalue) =	ssetifvalue $0x7FFFFFFF  }
0x65: {  	[tilespmem:s25], [sflag:$0x1] =	stream.indirect_vreg.gather [hbm4b:s2+s13], $0x1, v1, vm0, $0x4038;
	[tilespmem:$0x8400] =	vst v63  }
0x66: {  	(ifvalue) =	ssetifvalue $0x7FFFFFFF;
	v1 =	vadd.s32 $0xF42880, v0  }
0x67: {  	s26 =	sadd.s32 $0x2000, s20;
	(ifvalue) =	ssetifvalue $0x7FFFFFFF  }
0x68: {  	[tilespmem:s26], [sflag:$0x1] =	stream.indirect_vreg.gather [hbm4b:s2+s13], $0x1, v2, vm0, $0x4038;
	[tilespmem:$0x8400] =	vst v63  }
0x69: {  	(ifvalue) =	ssetifvalue $0x7FFFFFFF;
	v2 =	vadd.s32 $0xF42900, v0  }
0x6a: {  	s28 =	sadd.s32 $0x2080, s20;
	(ifvalue) =	ssetifvalue $0x7FFFFFFF  }
0x6b: {  	[tilespmem:s28], [sflag:$0x1] =	stream.indirect_vreg.gather [hbm4b:s2+s13], $0x1, v1, vm0, $0x4038;
	[tilespmem:$0x8400] =	vst v63  }
0x6c: {  	(ifvalue) =	ssetifvalue $0x7FFFFFFF;
	v1 =	vadd.s32 $0xF42980, v0  }
0x6d: {  	s29 =	sadd.s32 $0x2100, s20;
	(ifvalue) =	ssetifvalue $0x7FFFFFFF  }
0x6e: {  	[tilespmem:s29], [sflag:$0x1] =	stream.indirect_vreg.gather [hbm4b:s2+s13], $0x1, v2, vm0, $0x4038;
	[tilespmem:$0x8400] =	vst v63  }
0x6f: {  	(ifvalue) =	ssetifvalue $0x7FFFFFFF;
	v2 =	vadd.s32 $0xF42A00, v0  }
0x70: {  	s30 =	sadd.s32 $0x2180, s20;
	(ifvalue) =	ssetifvalue $0x7FFFFFFF  }
0x71: {  	[tilespmem:s30], [sflag:$0x1] =	stream.indirect_vreg.gather [hbm4b:s2+s13], $0x1, v1, vm0, $0x4038;
	[tilespmem:$0x8400] =	vst v63  }
0x72: {  	(ifvalue) =	ssetifvalue $0x7FFFFFFF;
	v1 =	vadd.s32 $0xF42A80, v0  }
0x73: {  	s31 =	sadd.s32 $0x2200, s20;
	(ifvalue) =	ssetifvalue $0x7FFFFFFF  }
0x74: {  	[tilespmem:s31], [sflag:$0x1] =	stream.indirect_vreg.gather [hbm4b:s2+s13], $0x1, v2, vm0, $0x4038;
	[tilespmem:$0x8400] =	vst v63  }
0x75: {  	(ifvalue) =	ssetifvalue $0x7FFFFFFF;
	v2 =	vadd.s32 $0xF42B00, v0  }
0x76: {  	s21 =	sadd.s32 $0x2280, s20;
	(ifvalue) =	ssetifvalue $0x7FFFFFFF  }
0x77: {  	[tilespmem:s21], [sflag:$0x1] =	stream.indirect_vreg.gather [hbm4b:s2+s13], $0x1, v1, vm0, $0x4038;
	[tilespmem:$0x8400] =	vst v63  }
0x78: {  	(ifvalue) =	ssetifvalue $0x7FFFFFFF;
	v1 =	vadd.s32 $0xF42B80, v0  }
0x79: {  	s22 =	sadd.s32 $0x2300, s20;
	(ifvalue) =	ssetifvalue $0x7FFFFFFF  }
0x7a: {  	[tilespmem:s22], [sflag:$0x1] =	stream.indirect_vreg.gather [hbm4b:s2+s13], $0x1, v2, vm0, $0x4038;
	[tilespmem:$0x8400] =	vst v63  }
0x7b: {  	(ifvalue) =	ssetifvalue $0x7FFFFFFF;
	v2 =	vadd.s32 $0x16E3C00, v0  }
0x7c: {  	s23 =	sadd.s32 $0x2380, s20;
	(ifvalue) =	ssetifvalue $0x7FFFFFFF  }
0x7d: {  	[tilespmem:s23], [sflag:$0x1] =	stream.indirect_vreg.gather [hbm4b:s2+s13], $0x1, v1, vm0, $0x4038;
	[tilespmem:$0x8400] =	vst v63  }
0x7e: {  	(ifvalue) =	ssetifvalue $0x7FFFFFFF;
	v1 =	vadd.s32 $0x16E3C80, v0  }
0x7f: {  	s24 =	sadd.s32 $0x3000, s20;
	(ifvalue) =	ssetifvalue $0x7FFFFFFF  }
0x80: {  	[tilespmem:s24], [sflag:$0x1] =	stream.indirect_vreg.gather [hbm4b:s2+s13], $0x1, v2, vm0, $0x4038;
	[tilespmem:$0x8400] =	vst v63  }
0x81: {  	(ifvalue) =	ssetifvalue $0x7FFFFFFF;
	v2 =	vadd.s32 $0x16E3D00, v0  }
0x82: {  	s25 =	sadd.s32 $0x3080, s20;
	(ifvalue) =	ssetifvalue $0x7FFFFFFF  }
0x83: {  	[tilespmem:s25], [sflag:$0x1] =	stream.indirect_vreg.gather [hbm4b:s2+s13], $0x1, v1, vm0, $0x4038;
	[tilespmem:$0x8400] =	vst v63  }
0x84: {  	(ifvalue) =	ssetifvalue $0x7FFFFFFF;
	v1 =	vadd.s32 $0x16E3D80, v0  }
0x85: {  	s26 =	sadd.s32 $0x3100, s20;
	(ifvalue) =	ssetifvalue $0x7FFFFFFF  }
0x86: {  	[tilespmem:s26], [sflag:$0x1] =	stream.indirect_vreg.gather [hbm4b:s2+s13], $0x1, v2, vm0, $0x4038;
	[tilespmem:$0x8400] =	vst v63  }
0x87: {  	(ifvalue) =	ssetifvalue $0x7FFFFFFF;
	v2 =	vadd.s32 $0x16E3E00, v0  }
0x88: {  	s28 =	sadd.s32 $0x3180, s20;
	(ifvalue) =	ssetifvalue $0x7FFFFFFF  }
0x89: {  	[tilespmem:s28], [sflag:$0x1] =	stream.indirect_vreg.gather [hbm4b:s2+s13], $0x1, v1, vm0, $0x4038;
	[tilespmem:$0x8400] =	vst v63  }
0x8a: {  	(ifvalue) =	ssetifvalue $0x7FFFFFFF;
	v1 =	vadd.s32 $0x16E3E80, v0  }
0x8b: {  	s29 =	sadd.s32 $0x3200, s20;
	(ifvalue) =	ssetifvalue $0x7FFFFFFF  }
0x8c: {  	[tilespmem:s29], [sflag:$0x1] =	stream.indirect_vreg.gather [hbm4b:s2+s13], $0x1, v2, vm0, $0x4038;
	[tilespmem:$0x8400] =	vst v63  }
0x8d: {  	(ifvalue) =	ssetifvalue $0x7FFFFFFF;
	v2 =	vadd.s32 $0x16E3F00, v0  }
0x8e: {  	s30 =	sadd.s32 $0x3280, s20;
	(ifvalue) =	ssetifvalue $0x7FFFFFFF  }
0x8f: {  	[tilespmem:s30], [sflag:$0x1] =	stream.indirect_vreg.gather [hbm4b:s2+s13], $0x1, v1, vm0, $0x4038;
	[tilespmem:$0x8400] =	vst v63  }
0x90: {  	v0 =	vadd.s32 $0x16E3F80, v0;
	(ifvalue) =	ssetifvalue $0x7FFFFFFF  }
0x91: {  	s31 =	sadd.s32 $0x3300, s20;
	(ifvalue) =	ssetifvalue $0x7FFFFFFF  }
0x92: {  	[tilespmem:s31], [sflag:$0x1] =	stream.indirect_vreg.gather [hbm4b:s2+s13], $0x1, v2, vm0, $0x4038;
	[tilespmem:$0x8400] =	vst v63  }
0x93: {  	s19 =	sadd.s32 $0x10, s19;
	s18 =	simm.s32 $0x10;
	(ifvalue) =	ssetifvalue $0x7FFFFFFF  }
0x94: {  	s21 =	sadd.s32 $0x3380, s20;
	s20 =	simm.s32 $0x80;
	(ifvalue) =	ssetifvalue $0x7FFFFFFF  }
.LBB2_3:
0x95: {  	[tilespmem:s21], [sflag:$0x1] =	stream.indirect_vreg.gather [hbm4b:s2+s13], $0x1, v0, vm0, $0x4038;
	[tilespmem:$0x8400] =	vst v63  }
0x96: {  	p1 =	sne.s32 s18, $0x1F0;
	s22 =	smov.u32 s18;
	s18 =	sadd.s32 $0x10, s18;
	v0 =	vld.msk [tilespmem:s19+$0x0 ss:$0x1], $0xffff  }
0x97: {  	(ifvalue) =	ssetifvalue $0x7FFFFFFF;
	_ =	sdelay $0x4  }
0x98: {  	vm1 =	vgt.s32 v0, $0x0  }
0x99: {  	v0 =	vnsel vm1, $0x0, v0  }
0x9a: {  	v0 =	vmin.u32 v0, $0xF423F  }
0x9b: {  	v1 =	vshll.u32 v0, $0x3  }
0x9c: {  	v0 =	vand.u32 $0x7F, v0;
	v1 =	vand.u32 $0x7FFC00, v1  }
0x9d: {  	v0 =	vor.u32 v0, v1;
	_ =	sdelay $0x1  }
0x9e: {  	s21 =	sand.u32 $0xC00, s20  }
0x9f: {  	s23 =	sand.u32 $0x70, s22;
	s21 =	sadd.s32 s21, s17;
	v1 =	vor.u32 $0x80, v0  }
0xa0: {  	s21 =	sadd.s32 s23, s21;
	(ifvalue) =	ssetifvalue $0x7FFFFFFF  }
0xa1: {  	[tilespmem:s21], [sflag:$0x1] =	stream.indirect_vreg.gather [hbm4b:s2+s13], $0x1, v0, vm0, $0x4038;
	[tilespmem:$0x8400] =	vst v63  }
0xa2: {  	v2 =	vor.u32 $0x100, v0;
	(ifvalue) =	ssetifvalue $0x7FFFFFFF  }
0xa3: {  	s23 =	sadd.s32 $0x80, s21;
	(ifvalue) =	ssetifvalue $0x7FFFFFFF  }
0xa4: {  	[tilespmem:s23], [sflag:$0x1] =	stream.indirect_vreg.gather [hbm4b:s2+s13], $0x1, v1, vm0, $0x4038;
	[tilespmem:$0x8400] =	vst v63  }
0xa5: {  	v1 =	vor.u32 $0x180, v0;
	(ifvalue) =	ssetifvalue $0x7FFFFFFF  }
0xa6: {  	s23 =	sadd.s32 $0x100, s21;
	(ifvalue) =	ssetifvalue $0x7FFFFFFF  }
0xa7: {  	[tilespmem:s23], [sflag:$0x1] =	stream.indirect_vreg.gather [hbm4b:s2+s13], $0x1, v2, vm0, $0x4038;
	[tilespmem:$0x8400] =	vst v63  }
0xa8: {  	v2 =	vor.u32 $0x200, v0;
	(ifvalue) =	ssetifvalue $0x7FFFFFFF  }
0xa9: {  	s23 =	sadd.s32 $0x180, s21;
	(ifvalue) =	ssetifvalue $0x7FFFFFFF  }
0xaa: {  	[tilespmem:s23], [sflag:$0x1] =	stream.indirect_vreg.gather [hbm4b:s2+s13], $0x1, v1, vm0, $0x4038;
	[tilespmem:$0x8400] =	vst v63  }
0xab: {  	v1 =	vor.u32 $0x280, v0;
	(ifvalue) =	ssetifvalue $0x7FFFFFFF  }
0xac: {  	s23 =	sadd.s32 $0x200, s21;
	(ifvalue) =	ssetifvalue $0x7FFFFFFF  }
0xad: {  	[tilespmem:s23], [sflag:$0x1] =	stream.indirect_vreg.gather [hbm4b:s2+s13], $0x1, v2, vm0, $0x4038;
	[tilespmem:$0x8400] =	vst v63  }
0xae: {  	v2 =	vor.u32 $0x300, v0;
	(ifvalue) =	ssetifvalue $0x7FFFFFFF  }
0xaf: {  	s23 =	sadd.s32 $0x280, s21;
	(ifvalue) =	ssetifvalue $0x7FFFFFFF  }
0xb0: {  	[tilespmem:s23], [sflag:$0x1] =	stream.indirect_vreg.gather [hbm4b:s2+s13], $0x1, v1, vm0, $0x4038;
	[tilespmem:$0x8400] =	vst v63  }
0xb1: {  	v1 =	vor.u32 $0x380, v0;
	(ifvalue) =	ssetifvalue $0x7FFFFFFF  }
0xb2: {  	s22 =	sor.u32 s20, s22;
	s23 =	sadd.s32 $0x300, s21;
	(ifvalue) =	ssetifvalue $0x7FFFFFFF  }
0xb3: {  	[tilespmem:s23], [sflag:$0x1] =	stream.indirect_vreg.gather [hbm4b:s2+s13], $0x1, v2, vm0, $0x4038;
	[tilespmem:$0x8400] =	vst v63  }
0xb4: {  	s22 =	sor.u32 $0x380, s22;
	v2 =	vadd.s32 $0x7A1400, v0;
	(ifvalue) =	ssetifvalue $0x7FFFFFFF  }
0xb5: {  	s22 =	sadd.s32 s22, s17;
	(ifvalue) =	ssetifvalue $0x7FFFFFFF  }
0xb6: {  	[tilespmem:s22], [sflag:$0x1] =	stream.indirect_vreg.gather [hbm4b:s2+s13], $0x1, v1, vm0, $0x4038;
	[tilespmem:$0x8400] =	vst v63  }
0xb7: {  	v1 =	vadd.s32 $0x7A1480, v0;
	(ifvalue) =	ssetifvalue $0x7FFFFFFF  }
0xb8: {  	s22 =	sadd.s32 $0x1000, s21;
	(ifvalue) =	ssetifvalue $0x7FFFFFFF  }
0xb9: {  	[tilespmem:s22], [sflag:$0x1] =	stream.indirect_vreg.gather [hbm4b:s2+s13], $0x1, v2, vm0, $0x4038;
	[tilespmem:$0x8400] =	vst v63  }
0xba: {  	v2 =	vadd.s32 $0x7A1500, v0;
	(ifvalue) =	ssetifvalue $0x7FFFFFFF  }
0xbb: {  	s22 =	sadd.s32 $0x1080, s21;
	(ifvalue) =	ssetifvalue $0x7FFFFFFF  }
0xbc: {  	[tilespmem:s22], [sflag:$0x1] =	stream.indirect_vreg.gather [hbm4b:s2+s13], $0x1, v1, vm0, $0x4038;
	[tilespmem:$0x8400] =	vst v63  }
0xbd: {  	v1 =	vadd.s32 $0x7A1580, v0;
	(ifvalue) =	ssetifvalue $0x7FFFFFFF  }
0xbe: {  	s22 =	sadd.s32 $0x1100, s21;
	(ifvalue) =	ssetifvalue $0x7FFFFFFF  }
0xbf: {  	[tilespmem:s22], [sflag:$0x1] =	stream.indirect_vreg.gather [hbm4b:s2+s13], $0x1, v2, vm0, $0x4038;
	[tilespmem:$0x8400] =	vst v63  }
0xc0: {  	v2 =	vadd.s32 $0x7A1600, v0;
	(ifvalue) =	ssetifvalue $0x7FFFFFFF  }
0xc1: {  	s22 =	sadd.s32 $0x1180, s21;
	(ifvalue) =	ssetifvalue $0x7FFFFFFF  }
0xc2: {  	[tilespmem:s22], [sflag:$0x1] =	stream.indirect_vreg.gather [hbm4b:s2+s13], $0x1, v1, vm0, $0x4038;
	[tilespmem:$0x8400] =	vst v63  }
0xc3: {  	v1 =	vadd.s32 $0x7A1680, v0;
	(ifvalue) =	ssetifvalue $0x7FFFFFFF  }
0xc4: {  	s22 =	sadd.s32 $0x1200, s21;
	(ifvalue) =	ssetifvalue $0x7FFFFFFF  }
0xc5: {  	[tilespmem:s22], [sflag:$0x1] =	stream.indirect_vreg.gather [hbm4b:s2+s13], $0x1, v2, vm0, $0x4038;
	[tilespmem:$0x8400] =	vst v63  }
0xc6: {  	v2 =	vadd.s32 $0x7A1700, v0;
	(ifvalue) =	ssetifvalue $0x7FFFFFFF  }
0xc7: {  	s22 =	sadd.s32 $0x1280, s21;
	(ifvalue) =	ssetifvalue $0x7FFFFFFF  }
0xc8: {  	[tilespmem:s22], [sflag:$0x1] =	stream.indirect_vreg.gather [hbm4b:s2+s13], $0x1, v1, vm0, $0x4038;
	[tilespmem:$0x8400] =	vst v63  }
0xc9: {  	v1 =	vadd.s32 $0x7A1780, v0;
	(ifvalue) =	ssetifvalue $0x7FFFFFFF  }
0xca: {  	s22 =	sadd.s32 $0x1300, s21;
	(ifvalue) =	ssetifvalue $0x7FFFFFFF  }
0xcb: {  	[tilespmem:s22], [sflag:$0x1] =	stream.indirect_vreg.gather [hbm4b:s2+s13], $0x1, v2, vm0, $0x4038;
	[tilespmem:$0x8400] =	vst v63  }
0xcc: {  	v2 =	vadd.s32 $0xF42800, v0;
	(ifvalue) =	ssetifvalue $0x7FFFFFFF  }
0xcd: {  	s22 =	sadd.s32 $0x1380, s21;
	(ifvalue) =	ssetifvalue $0x7FFFFFFF  }
0xce: {  	[tilespmem:s22], [sflag:$0x1] =	stream.indirect_vreg.gather [hbm4b:s2+s13], $0x1, v1, vm0, $0x4038;
	[tilespmem:$0x8400] =	vst v63  }
0xcf: {  	v1 =	vadd.s32 $0xF42880, v0;
	(ifvalue) =	ssetifvalue $0x7FFFFFFF  }
0xd0: {  	s22 =	sadd.s32 $0x2000, s21;
	(ifvalue) =	ssetifvalue $0x7FFFFFFF  }
0xd1: {  	[tilespmem:s22], [sflag:$0x1] =	stream.indirect_vreg.gather [hbm4b:s2+s13], $0x1, v2, vm0, $0x4038;
	[tilespmem:$0x8400] =	vst v63  }
0xd2: {  	v2 =	vadd.s32 $0xF42900, v0;
	(ifvalue) =	ssetifvalue $0x7FFFFFFF  }
0xd3: {  	s22 =	sadd.s32 $0x2080, s21;
	(ifvalue) =	ssetifvalue $0x7FFFFFFF  }
0xd4: {  	[tilespmem:s22], [sflag:$0x1] =	stream.indirect_vreg.gather [hbm4b:s2+s13], $0x1, v1, vm0, $0x4038;
	[tilespmem:$0x8400] =	vst v63  }
0xd5: {  	v1 =	vadd.s32 $0xF42980, v0;
	(ifvalue) =	ssetifvalue $0x7FFFFFFF  }
0xd6: {  	s22 =	sadd.s32 $0x2100, s21;
	(ifvalue) =	ssetifvalue $0x7FFFFFFF  }
0xd7: {  	[tilespmem:s22], [sflag:$0x1] =	stream.indirect_vreg.gather [hbm4b:s2+s13], $0x1, v2, vm0, $0x4038;
	[tilespmem:$0x8400] =	vst v63  }
0xd8: {  	v2 =	vadd.s32 $0xF42A00, v0;
	(ifvalue) =	ssetifvalue $0x7FFFFFFF  }
0xd9: {  	s22 =	sadd.s32 $0x2180, s21;
	(ifvalue) =	ssetifvalue $0x7FFFFFFF  }
0xda: {  	[tilespmem:s22], [sflag:$0x1] =	stream.indirect_vreg.gather [hbm4b:s2+s13], $0x1, v1, vm0, $0x4038;
	[tilespmem:$0x8400] =	vst v63  }
0xdb: {  	v1 =	vadd.s32 $0xF42A80, v0;
	(ifvalue) =	ssetifvalue $0x7FFFFFFF  }
0xdc: {  	s22 =	sadd.s32 $0x2200, s21;
	(ifvalue) =	ssetifvalue $0x7FFFFFFF  }
0xdd: {  	[tilespmem:s22], [sflag:$0x1] =	stream.indirect_vreg.gather [hbm4b:s2+s13], $0x1, v2, vm0, $0x4038;
	[tilespmem:$0x8400] =	vst v63  }
0xde: {  	v2 =	vadd.s32 $0xF42B00, v0;
	(ifvalue) =	ssetifvalue $0x7FFFFFFF  }
0xdf: {  	s22 =	sadd.s32 $0x2280, s21;
	(ifvalue) =	ssetifvalue $0x7FFFFFFF  }
0xe0: {  	[tilespmem:s22], [sflag:$0x1] =	stream.indirect_vreg.gather [hbm4b:s2+s13], $0x1, v1, vm0, $0x4038;
	[tilespmem:$0x8400] =	vst v63  }
0xe1: {  	v1 =	vadd.s32 $0xF42B80, v0;
	(ifvalue) =	ssetifvalue $0x7FFFFFFF  }
0xe2: {  	s22 =	sadd.s32 $0x2300, s21;
	(ifvalue) =	ssetifvalue $0x7FFFFFFF  }
0xe3: {  	[tilespmem:s22], [sflag:$0x1] =	stream.indirect_vreg.gather [hbm4b:s2+s13], $0x1, v2, vm0, $0x4038;
	[tilespmem:$0x8400] =	vst v63  }
0xe4: {  	v2 =	vadd.s32 $0x16E3C00, v0;
	(ifvalue) =	ssetifvalue $0x7FFFFFFF  }
0xe5: {  	s22 =	sadd.s32 $0x2380, s21;
	(ifvalue) =	ssetifvalue $0x7FFFFFFF  }
0xe6: {  	[tilespmem:s22], [sflag:$0x1] =	stream.indirect_vreg.gather [hbm4b:s2+s13], $0x1, v1, vm0, $0x4038;
	[tilespmem:$0x8400] =	vst v63  }
0xe7: {  	v1 =	vadd.s32 $0x16E3C80, v0;
	(ifvalue) =	ssetifvalue $0x7FFFFFFF  }
0xe8: {  	s22 =	sadd.s32 $0x3000, s21;
	(ifvalue) =	ssetifvalue $0x7FFFFFFF  }
0xe9: {  	[tilespmem:s22], [sflag:$0x1] =	stream.indirect_vreg.gather [hbm4b:s2+s13], $0x1, v2, vm0, $0x4038;
	[tilespmem:$0x8400] =	vst v63  }
0xea: {  	v2 =	vadd.s32 $0x16E3D00, v0;
	(ifvalue) =	ssetifvalue $0x7FFFFFFF  }
0xeb: {  	s22 =	sadd.s32 $0x3080, s21;
	(ifvalue) =	ssetifvalue $0x7FFFFFFF  }
0xec: {  	[tilespmem:s22], [sflag:$0x1] =	stream.indirect_vreg.gather [hbm4b:s2+s13], $0x1, v1, vm0, $0x4038;
	[tilespmem:$0x8400] =	vst v63  }
0xed: {  	v1 =	vadd.s32 $0x16E3D80, v0;
	(ifvalue) =	ssetifvalue $0x7FFFFFFF  }
0xee: {  	s22 =	sadd.s32 $0x3100, s21;
	(ifvalue) =	ssetifvalue $0x7FFFFFFF  }
0xef: {  	[tilespmem:s22], [sflag:$0x1] =	stream.indirect_vreg.gather [hbm4b:s2+s13], $0x1, v2, vm0, $0x4038;
	[tilespmem:$0x8400] =	vst v63  }
0xf0: {  	v2 =	vadd.s32 $0x16E3E00, v0;
	(ifvalue) =	ssetifvalue $0x7FFFFFFF  }
0xf1: {  	s22 =	sadd.s32 $0x3180, s21;
	(ifvalue) =	ssetifvalue $0x7FFFFFFF  }
0xf2: {  	[tilespmem:s22], [sflag:$0x1] =	stream.indirect_vreg.gather [hbm4b:s2+s13], $0x1, v1, vm0, $0x4038;
	[tilespmem:$0x8400] =	vst v63  }
0xf3: {  	v1 =	vadd.s32 $0x16E3E80, v0;
	(ifvalue) =	ssetifvalue $0x7FFFFFFF  }
0xf4: {  	s22 =	sadd.s32 $0x3200, s21;
	(ifvalue) =	ssetifvalue $0x7FFFFFFF  }
0xf5: {  	[tilespmem:s22], [sflag:$0x1] =	stream.indirect_vreg.gather [hbm4b:s2+s13], $0x1, v2, vm0, $0x4038;
	[tilespmem:$0x8400] =	vst v63  }
0xf6: {  	v2 =	vadd.s32 $0x16E3F00, v0;
	(ifvalue) =	ssetifvalue $0x7FFFFFFF  }
0xf7: {  	s22 =	sadd.s32 $0x3280, s21;
	(ifvalue) =	ssetifvalue $0x7FFFFFFF  }
0xf8: {  	[tilespmem:s22], [sflag:$0x1] =	stream.indirect_vreg.gather [hbm4b:s2+s13], $0x1, v1, vm0, $0x4038;
	[tilespmem:$0x8400] =	vst v63  }
.Ltmp3:
0xf9: {  	v0 =	vadd.s32 $0x16E3F80, v0;
	(ifvalue) =	ssetifvalue $0x7FFFFFFF;
	(pc) =	sbr.rel @p1 .LBB2_3-.Ltmp3, $4  }
0xfa: {  	s22 =	sadd.s32 $0x3300, s21;
	(ifvalue) =	ssetifvalue $0x7FFFFFFF  }
0xfb: {  	[tilespmem:s22], [sflag:$0x1] =	stream.indirect_vreg.gather [hbm4b:s2+s13], $0x1, v2, vm0, $0x4038;
	[tilespmem:$0x8400] =	vst v63  }
0xfc: {  	s19 =	sadd.s32 $0x10, s19;
	(ifvalue) =	ssetifvalue $0x7FFFFFFF  }
0xfd: {  	s20 =	sadd.s32 $0x80, s20;
	s21 =	sadd.s32 $0x3380, s21;
	(ifvalue) =	ssetifvalue $0x7FFFFFFF  }
.Ltmp4:
0xfe: {  	_ = 	snop;
	(pc) =	sbr.rel .LBB2_4-.Ltmp4, $1  }
0xff: {  	_ =	sdelay $0x3  }
.LBB2_6:
0x100: {  	_ =	sfence.sel $0x180000  }
0x101: {  	s2 =	simm.s32 $0x2;
	[bflag:$0x0] =	sbarrier.arrive $0xFFFF  }
0x102: {  	s30 =	simm.s32 $0x3;
	[sflag:s2] =	ssyncpa.u1 $0x1  }
0x103: {  	s31 =	simm.s32 $0x1;
	[sflag:s30] =	ssyncpa.u1 $0x1  }
0x104: {  	[sflag:s31] =	ssyncpa.u1 $0x1  }
0x105: {  	p0 =	sne.s32 s1, $0x0;
	_ =	strace $0x9000004D  }
0x106: {  	s0 =	sadd.s32 @!p0 $0x100000, s0;
	[bflag:$0x2] =	sbarrier.arrive $0xFFFF  }
0x107: {  	[sflag:s0] =	ssyncadd.tile.s32 @!p0 $0x1;
	_ =	shalt  }
.Lfunc_end2:
_tile_overlayer_lowered:
.L_overlay_start_2:
0x108: {  	(tag) =	ssettag $0x2  }
0x109: {  	s0 =	rddreg [dreg:$0x0];
	s2 =	stileid.u32  }
0x10a: {  	s1 =	rddreg [dreg:$0x1];
	p0 =	sne.s32 s2, $0x0  }
0x10b: {  	s3 =	rddreg [dreg:$0x2];
	[bflag:$0x3] =	sbarrier.arrive $0xFFFF;
	s2 =	simm.s32 @!p0 $0x1C01  }
0x10c: {  	[timem:s3], [sflag:s2] =	dma.local @!p0 [hbm:s0], s1  }
0x10d: {  	s0 =	simm.s32 @!p0 $0x1  }
0x10e: {  	_ =	swait.ge @!p0 [sflag:s0], s1  }
0x10f: {  	s1 =	ssub.s32 @!p0 $0x0, s1;
	[sflag:s0] =	ssyncset.done @!p0 $0x0  }
0x110: {  	[sflag:s0] =	ssyncadd.s32 @!p0 s1  }
0x111: {  	[bflag:$0x3] =	sbarrier.arrive $0xFFFF  }
0x112: {  	_ =	shalt  }

</sc_bundles>
